<compile_context>
chip_gen: v7x
topology: tpu7x:2x2x1
jax: 0.10.2.dev20260603
libtpu: 0.0.44.dev20260713+nightly
codegen_flags: <defaults>
</compile_context>

<pallas_src>
import functools

import jax
import jax.numpy as jnp
from jax import lax
from jax.experimental import pallas as pl
from jax.experimental.pallas import tpu as pltpu
from jax.experimental.pallas import tpu_sc as plsc

_N_TOKENS = 8192
_N_EMBED = 2048
_N_EXPERTS = 16
_NW = 32
_TPW = _N_TOKENS // _NW
_L = 16
_GROUPS = _TPW // _L


def _tc_body(x_ref, w_ref, wn_ref, b_ref, bn_ref, eps_ref, out_ref):
    wcat = jnp.concatenate([w_ref[...], wn_ref[...]], axis=0)
    acc = lax.dot_general(
        wcat.astype(jnp.bfloat16), x_ref[...].astype(jnp.bfloat16),
        (((1,), (1,)), ((), ())),
        preferred_element_type=jnp.float32,
    )
    logits = acc[0:_N_EXPERTS, :] + b_ref[...].reshape(_N_EXPERTS, 1)
    noise = acc[_N_EXPERTS:, :] + bn_ref[...].reshape(_N_EXPERTS, 1)
    for c in range(_CHUNKS_PER_BLOCK):
        lo, hi = c * _TPW, (c + 1) * _TPW
        out_ref[c] = (logits[:, lo:hi]
                      + eps_ref[c] * jax.nn.softplus(noise[:, lo:hi]))


_CHUNKS_PER_BLOCK = 4


def _noisy_logits(x, w, wn, b, bn, epsb, nchunks, chunk_off):
    cpb = _CHUNKS_PER_BLOCK
    blk = _TPW * cpb
    boff = chunk_off // cpb
    return pl.pallas_call(
        _tc_body,
        grid=(nchunks // cpb,),
        in_specs=[
            pl.BlockSpec((blk, _N_EMBED), lambda w: (w + boff, 0)),
            pl.BlockSpec((_N_EXPERTS, _N_EMBED), lambda w: (0, 0)),
            pl.BlockSpec((_N_EXPERTS, _N_EMBED), lambda w: (0, 0)),
            pl.BlockSpec((1, _N_EXPERTS), lambda w: (0, 0)),
            pl.BlockSpec((1, _N_EXPERTS), lambda w: (0, 0)),
            pl.BlockSpec((cpb, _N_EXPERTS, _TPW), lambda w: (w, 0, 0)),
        ],
        out_specs=pl.BlockSpec((cpb, _N_EXPERTS, _TPW), lambda w: (w, 0, 0)),
        out_shape=jax.ShapeDtypeStruct((nchunks, _N_EXPERTS, _TPW), jnp.float32),
        compiler_params=pltpu.CompilerParams(
            dimension_semantics=("parallel",)),
    )(x, w, wn, b, bn, epsb)


@functools.cache
def _sc_router(phases):
    ntok = _N_TOKENS // phases
    tpv = ntok // _NW
    groups = tpv // _L
    parts = _TPW // tpv

    def body(noisy_hbm, probs_hbm, idx_hbm, nl_v, probs_v, idx_v):
        w = lax.axis_index("s") * 2 + lax.axis_index("c")
        base = w * tpv
        if parts == 1:
            pltpu.sync_copy(noisy_hbm.at[w], nl_v)
        else:
            chunk = w // parts
            part = w % parts
            pltpu.sync_copy(
                noisy_hbm.at[chunk, :, pl.ds(part * tpv, tpv)], nl_v)

        zeros_f = jnp.zeros((_L,), jnp.float32)

        def _zero_row(i, carry):
            probs_v[i, :] = zeros_f
            return carry

        lax.fori_loop(0, tpv, _zero_row, 0)

        lane = lax.iota(jnp.int32, _L)
        zeros_i = jnp.zeros((_L,), jnp.int32)
        ones_i = jnp.full((_L,), 1, jnp.int32)
        neg_inf = jnp.full((_L,), -jnp.inf, jnp.float32)

        def _group(g, carry):
            t_vec = g * _L + lane
            max1 = nl_v[0, pl.ds(g * _L, _L)]
            idx1 = zeros_i
            max2 = neg_inf
            idx2 = zeros_i
            for e in range(1, _N_EXPERTS):
                xe = nl_v[e, pl.ds(g * _L, _L)]
                evec = jnp.full((_L,), e, jnp.int32)
                gt1 = xe > max1
                gt2 = xe > max2
                max2 = jnp.where(gt1, max1, jnp.where(gt2, xe, max2))
                idx2 = jnp.where(gt1, idx1, jnp.where(gt2, evec, idx2))
                max1 = jnp.where(gt1, xe, max1)
                idx1 = jnp.where(gt1, evec, idx1)
            e2 = jnp.exp(max2 - max1)
            p1 = 1.0 / (1.0 + e2)
            p2 = e2 * p1
            plsc.store_scatter(probs_v, [t_vec, idx1], p1)
            plsc.store_scatter(probs_v, [t_vec, idx2], p2)
            plsc.store_scatter(idx_v, [t_vec, zeros_i], idx1)
            plsc.store_scatter(idx_v, [t_vec, ones_i], idx2)
            return carry

        lax.fori_loop(0, groups, _group, 0)

        pltpu.sync_copy(probs_v, probs_hbm.at[pl.ds(base, tpv)])
        pltpu.sync_copy(idx_v, idx_hbm.at[pl.ds(base, tpv)])

    return pl.kernel(
        body,
        out_type=(
            jax.ShapeDtypeStruct((ntok, _N_EXPERTS), jnp.float32),
            jax.ShapeDtypeStruct((ntok, 2), jnp.int32),
        ),
        mesh=plsc.VectorSubcoreMesh(core_axis_name="c", subcore_axis_name="s"),
        compiler_params=pltpu.CompilerParams(needs_layout_passes=False),
        scratch_types=[
            pltpu.VMEM((_N_EXPERTS, tpv), jnp.float32),
            pltpu.VMEM((tpv, _N_EXPERTS), jnp.float32),
            pltpu.VMEM((tpv, 2), jnp.int32),
        ],
    )


@functools.cache
def _eps_blocked():
    eps = jax.random.normal(
        jax.random.key(42), (_N_TOKENS, _N_EXPERTS), dtype=jnp.float32)
    return jax.device_get(
        eps.T.reshape(_N_EXPERTS, _NW, _TPW).transpose(1, 0, 2))


_PHASES = 2


def kernel(mh_output, W, b, W_noise, b_noise):
    epsb = _eps_blocked()
    b2, bn2 = b[None, :], b_noise[None, :]
    cpp = _NW // _PHASES
    sc = _sc_router(_PHASES)
    probs_parts, idx_parts = [], []
    for ph in range(_PHASES):
        eph = jnp.asarray(epsb[ph * cpp:(ph + 1) * cpp])
        noisy = _noisy_logits(mh_output, W, W_noise, b2, bn2, eph,
                              cpp, ph * cpp)
        p, i = sc(noisy)
        probs_parts.append(p)
        idx_parts.append(i)
    routing_probs = jnp.concatenate(probs_parts, axis=0)
    top_k_idx = jnp.concatenate(idx_parts, axis=0)
    return routing_probs, top_k_idx

# --- scband reference (transcript-rebuilt; emitter-appended) ---
"""Pipeline reference for scband-noisy-topk-6889127542919 (READ-ONLY COPY).

The authoritative reference and input builder live on the scoring server;
editing this copy changes nothing except your own understanding.
"""

import jax, jax.numpy as jnp
import numpy as np

N_TOKENS = 8192
N_EMBED = 2048
NUM_EXPERTS = 16
TOP_K = 2


def setup_inputs(seed: int = 0) -> dict:
    key = jax.random.key(seed)
    k1, k2, k3, k4, k5 = jax.random.split(key, 5)
    mh_output = jax.random.normal(k1, (N_TOKENS, N_EMBED), dtype=jnp.float32)
    lim = 1.0 / np.sqrt(N_EMBED)
    W = jax.random.uniform(k2, (NUM_EXPERTS, N_EMBED), dtype=jnp.float32, minval=-lim, maxval=lim)
    b = jax.random.uniform(k3, (NUM_EXPERTS,), dtype=jnp.float32, minval=-lim, maxval=lim)
    W_noise = jax.random.uniform(k4, (NUM_EXPERTS, N_EMBED), dtype=jnp.float32, minval=-lim, maxval=lim)
    b_noise = jax.random.uniform(k5, (NUM_EXPERTS,), dtype=jnp.float32, minval=-lim, maxval=lim)
    return {"mh_output": mh_output, "W": W, "b": b, "W_noise": W_noise, "b_noise": b_noise}


def reference(mh_output, W, b, W_noise, b_noise):
    # logits = self.linear(mh_output)
    logits = mh_output @ W.T + b
    # noise = self.noise_linear(mh_output)
    noise = mh_output @ W_noise.T + b_noise
    # safe_noise = F.softplus(noise)
    safe_noise = jax.nn.softplus(noise).astype(logits.dtype)
    # noisy_logits = logits + torch.randn_like(logits) * safe_noise
    eps = jax.random.normal(jax.random.key(42), logits.shape, dtype=logits.dtype)
    noisy_logits = logits + eps * safe_noise
    # top_k over experts
    top_k_vals, top_k_idx = jax.lax.top_k(noisy_logits, TOP_K)
    # scatter top-k values into a -inf matrix
    sparse = jnp.full_like(noisy_logits, -jnp.inf)
    rows = jnp.arange(noisy_logits.shape[0])[:, None]
    sparse = sparse.at[rows, top_k_idx].set(top_k_vals)
    routing_probs = jax.nn.softmax(sparse, axis=-1).astype(logits.dtype)
    return routing_probs, top_k_idx

if __name__ == "__main__":
    import jax
    _d = setup_inputs()
    print(jax.jit(kernel)(*tuple(_d.values())))

</pallas_src>

<mosaic_0001>
#map = affine_map<(d0, d1) -> (0, 0, 0)>
#map1 = affine_map<(d0, d1) -> (0, 0)>
module attributes {stable_mosaic.version = 14 : i64} {
  func.func @body(%arg0: i32, %arg1: i32, %arg2: memref<16x16x256xf32, #tpu.memory_space<hbm>>, %arg3: memref<4096x16xf32, #tpu.memory_space<hbm>>, %arg4: memref<4096x2xi32, #tpu.memory_space<hbm>>, %arg5: memref<16x128xf32, #tpu.memory_space<vmem>>, %arg6: memref<128x16xf32, #tpu.memory_space<vmem>>, %arg7: memref<128x2xi32, #tpu.memory_space<vmem>>) attributes {dimension_semantics = [#tpu.dimension_semantics<core_parallel>, #tpu.dimension_semantics<subcore_parallel>], iteration_bounds = array<i64: 2, 16>, scalar_prefetch = 0 : i64, scratch_operands = 3 : i64, tpu.core_type = #tpu.core_type<sc_vector_subcore>, window_params = [{transform_indices = #map}, {transform_indices = #map1}, {transform_indices = #map1}]} {
    %mul3A = arith.constant 2 : i32
    %mul3A_0 = arith.muli %arg1, %mul3A : i32
    %add3A = arith.addi %mul3A_0, %arg0 : i32
    %mul3A_1 = arith.constant 128 : i32
    %mul3A_2 = arith.muli %add3A, %mul3A_1 : i32
    %jit3A = arith.constant 2 : i32
    %div3A = arith.divsi %add3A, %jit3A : i32
    %sign3A = arith.constant 0 : i32
    %sign3A_3 = arith.cmpi sgt, %add3A, %sign3A : i32
    %sign3A_4 = arith.extui %sign3A_3 : i1 to i32
    %sign3A_5 = arith.constant 0 : i32
    %sign3A_6 = arith.cmpi slt, %add3A, %sign3A_5 : i32
    %sign3A_7 = arith.extui %sign3A_6 : i1 to i32
    %sign3A_8 = arith.subi %sign3A_4, %sign3A_7 : i32
    %sign3A_9 = arith.constant 0 : i32
    %sign3A_10 = arith.cmpi sgt, %jit3A, %sign3A_9 : i32
    %sign3A_11 = arith.extui %sign3A_10 : i1 to i32
    %sign3A_12 = arith.constant 0 : i32
    %sign3A_13 = arith.cmpi slt, %jit3A, %sign3A_12 : i32
    %sign3A_14 = arith.extui %sign3A_13 : i1 to i32
    %sign3A_15 = arith.subi %sign3A_11, %sign3A_14 : i32
    %ne3A = arith.cmpi ne, %sign3A_8, %sign3A_15 : i32
    %rem3A = arith.remsi %add3A, %jit3A : i32
    %ne3A_16 = arith.constant 0 : i32
    %ne3A_17 = arith.cmpi ne, %rem3A, %ne3A_16 : i32
    %and3A = arith.andi %ne3A, %ne3A_17 : i1
    %sub3A = arith.constant 1 : i32
    %sub3A_18 = arith.subi %div3A, %sub3A : i32
    %select_n3A = arith.select %and3A, %sub3A_18, %div3A : i32
    %jit3A_19 = arith.constant 2 : i32
    %eq3A = arith.constant 0 : i32
    %eq3A_20 = arith.cmpi eq, %jit3A_19, %eq3A : i32
    %jit3A_21 = arith.constant 1 : i32
    %select_n3A_22 = arith.select %eq3A_20, %jit3A_21, %jit3A_19 : i32
    %rem3A_23 = arith.remsi %add3A, %select_n3A_22 : i32
    %ne3A_24 = arith.constant 0 : i32
    %ne3A_25 = arith.cmpi ne, %rem3A_23, %ne3A_24 : i32
    %lt3A = arith.constant 0 : i32
    %lt3A_26 = arith.cmpi slt, %rem3A_23, %lt3A : i32
    %lt3A_27 = arith.constant 0 : i32
    %lt3A_28 = arith.cmpi slt, %select_n3A_22, %lt3A_27 : i32
    %ne3A_29 = arith.xori %lt3A_26, %lt3A_28 : i1
    %and3A_30 = arith.andi %ne3A_29, %ne3A_25 : i1
    %add3A_31 = arith.addi %rem3A_23, %select_n3A_22 : i32
    %select_n3A_32 = arith.select %and3A_30, %add3A_31, %rem3A_23 : i32
    %mul3A_33 = arith.constant 128 : i32
    %mul3A_34 = arith.muli %select_n3A_32, %mul3A_33 : i32
    "tpu.region"() ({
      %run_scoped3A = tpu.sem_alloc : memref<!tpu.dma_semaphore, #tpu.memory_space<semaphore_mem>>
      %dma_start3A = arith.constant 0 : i32
      %dma_start3A_53 = tpu.memref_slice %arg2[%select_n3A, %dma_start3A, %mul3A_34] : memref<16x16x256xf32, #tpu.memory_space<hbm>> -> memref<1x16x128xf32, #tpu.memory_space<hbm>>
      %dma_start3A_54 = tpu.memref_squeeze %dma_start3A_53 : memref<1x16x128xf32, #tpu.memory_space<hbm>> -> memref<16x128xf32, #tpu.memory_space<hbm>>
      %dma_start3A_55 = arith.constant 0 : i32
      %dma_start3A_56 = tpu.memref_slice %arg2[%select_n3A, %dma_start3A_55, %mul3A_34] : memref<16x16x256xf32, #tpu.memory_space<hbm>> -> memref<1x16x128xf32, #tpu.memory_space<hbm>>
      %dma_start3A_57 = tpu.memref_squeeze %dma_start3A_56 : memref<1x16x128xf32, #tpu.memory_space<hbm>> -> memref<16x128xf32, #tpu.memory_space<hbm>>
      tpu.enqueue_dma source(%dma_start3A_57 : memref<16x128xf32, #tpu.memory_space<hbm>>) target(%arg5 : memref<16x128xf32, #tpu.memory_space<vmem>>) target_semaphore(%run_scoped3A : memref<!tpu.dma_semaphore, #tpu.memory_space<semaphore_mem>>)
      %dma_wait3A = arith.constant 0 : i32
      %dma_wait3A_58 = tpu.memref_slice %arg2[%select_n3A, %dma_wait3A, %mul3A_34] : memref<16x16x256xf32, #tpu.memory_space<hbm>> -> memref<1x16x128xf32, #tpu.memory_space<hbm>>
      %dma_wait3A_59 = tpu.memref_squeeze %dma_wait3A_58 : memref<1x16x128xf32, #tpu.memory_space<hbm>> -> memref<16x128xf32, #tpu.memory_space<hbm>>
      %dma_wait3A_60 = arith.constant 0 : i32
      %dma_wait3A_61 = tpu.memref_slice %arg2[%select_n3A, %dma_wait3A_60, %mul3A_34] : memref<16x16x256xf32, #tpu.memory_space<hbm>> -> memref<1x16x128xf32, #tpu.memory_space<hbm>>
      %dma_wait3A_62 = tpu.memref_squeeze %dma_wait3A_61 : memref<1x16x128xf32, #tpu.memory_space<hbm>> -> memref<16x128xf32, #tpu.memory_space<hbm>>
      tpu.wait_dma2 semaphore(%run_scoped3A : memref<!tpu.dma_semaphore, #tpu.memory_space<semaphore_mem>>) src(%dma_wait3A_62 : memref<16x128xf32, #tpu.memory_space<hbm>>) dst(%arg5 : memref<16x128xf32, #tpu.memory_space<vmem>>)
      tpu.yield
    }) : () -> ()
    %broadcast_in_dim3A = arith.constant 0.000000e+00 : f32
    %broadcast_in_dim3A_35 = vector.broadcast %broadcast_in_dim3A : f32 to vector<16xf32>
    %scan3A = arith.constant 0 : i32
    %scan3A_36 = arith.constant 0 : i32
    %scan3A_37 = arith.constant 128 : i32
    %scan3A_38 = arith.addi %scan3A_36, %scan3A_37 : i32
    %scan3A_39 = arith.constant 1 : i32
    scf.for %scan3A_53 = %scan3A_36 to %scan3A_38 step %scan3A_39  : i32 {
      %swap3A = arith.index_cast %scan3A_53 : i32 to index
      %swap3A_54 = arith.constant 0 : index
      %swap3A_55 = tpu.vector_load %arg6[%swap3A, %swap3A_54] {strides = array<i32>} : memref<128x16xf32, #tpu.memory_space<vmem>>, vector<16xf32>,
      tpu.vector_store %arg6[%swap3A, %swap3A_54], %broadcast_in_dim3A_35 {strides = array<i32>} : memref<128x16xf32, #tpu.memory_space<vmem>>, vector<16xf32>,
    }
    %scan3A_40 = arith.constant 128 : i32
    %iota3A = tpu.iota {dimensions = array<i32: 0>} : vector<16xi32>
    %broadcast_in_dim3A_41 = arith.constant 0 : i32
    %broadcast_in_dim3A_42 = vector.broadcast %broadcast_in_dim3A_41 : i32 to vector<16xi32>
    %broadcast_in_dim3A_43 = arith.constant 1 : i32
    %broadcast_in_dim3A_44 = vector.broadcast %broadcast_in_dim3A_43 : i32 to vector<16xi32>
    %broadcast_in_dim3A_45 = arith.constant 0xFF800000 : f32
    %broadcast_in_dim3A_46 = vector.broadcast %broadcast_in_dim3A_45 : f32 to vector<16xf32>
    %scan3A_47 = arith.constant 0 : i32
    %scan3A_48 = arith.constant 0 : i32
    %scan3A_49 = arith.constant 8 : i32
    %scan3A_50 = arith.addi %scan3A_48, %scan3A_49 : i32
    %scan3A_51 = arith.constant 1 : i32
    scf.for %scan3A_53 = %scan3A_48 to %scan3A_50 step %scan3A_51  : i32 {
      %mul3A_54 = arith.constant 16 : i32
      %mul3A_55 = arith.muli %scan3A_53, %mul3A_54 : i32
      %add3A_56 = vector.broadcast %mul3A_55 : i32 to vector<16xi32>
      %add3A_57 = arith.addi %add3A_56, %iota3A : vector<16xi32>
      %mul3A_58 = arith.constant 16 : i32
      %mul3A_59 = arith.muli %scan3A_53, %mul3A_58 : i32
      %get3A = arith.constant 0 : i32
      %get3A_60 = arith.index_cast %get3A : i32 to index
      %get3A_61 = arith.index_cast %mul3A_59 : i32 to index
      %get3A_62 = tpu.vector_load %arg5[%get3A_60, %get3A_61] {strides = array<i32>} : memref<16x128xf32, #tpu.memory_space<vmem>>, vector<16xf32>,
      %mul3A_63 = arith.constant 16 : i32
      %mul3A_64 = arith.muli %scan3A_53, %mul3A_63 : i32
      %get3A_65 = arith.constant 1 : i32
      %get3A_66 = arith.index_cast %get3A_65 : i32 to index
      %get3A_67 = arith.index_cast %mul3A_64 : i32 to index
      %get3A_68 = tpu.vector_load %arg5[%get3A_66, %get3A_67] {strides = array<i32>} : memref<16x128xf32, #tpu.memory_space<vmem>>, vector<16xf32>,
      %broadcast_in_dim3A_69 = arith.constant 1 : i32
      %broadcast_in_dim3A_70 = vector.broadcast %broadcast_in_dim3A_69 : i32 to vector<16xi32>
      %gt3A = arith.cmpf ogt, %get3A_68, %get3A_62 : vector<16xf32>
      %gt3A_71 = arith.cmpf ogt, %get3A_68, %broadcast_in_dim3A_46 : vector<16xf32>
      %select_n3A_72 = arith.select %gt3A_71, %get3A_68, %broadcast_in_dim3A_46 : vector<16xi1>, vector<16xf32>
      %select_n3A_73 = arith.select %gt3A, %get3A_62, %select_n3A_72 : vector<16xi1>, vector<16xf32>
      %select_n3A_74 = arith.select %gt3A_71, %broadcast_in_dim3A_70, %broadcast_in_dim3A_42 : vector<16xi1>, vector<16xi32>
      %select_n3A_75 = arith.select %gt3A, %broadcast_in_dim3A_42, %select_n3A_74 : vector<16xi1>, vector<16xi32>
      %select_n3A_76 = arith.select %gt3A, %get3A_68, %get3A_62 : vector<16xi1>, vector<16xf32>
      %select_n3A_77 = arith.select %gt3A, %broadcast_in_dim3A_70, %broadcast_in_dim3A_42 : vector<16xi1>, vector<16xi32>
      %mul3A_78 = arith.constant 16 : i32
      %mul3A_79 = arith.muli %scan3A_53, %mul3A_78 : i32
      %get3A_80 = arith.constant 2 : i32
      %get3A_81 = arith.index_cast %get3A_80 : i32 to index
      %get3A_82 = arith.index_cast %mul3A_79 : i32 to index
      %get3A_83 = tpu.vector_load %arg5[%get3A_81, %get3A_82] {strides = array<i32>} : memref<16x128xf32, #tpu.memory_space<vmem>>, vector<16xf32>,
      %broadcast_in_dim3A_84 = arith.constant 2 : i32
      %broadcast_in_dim3A_85 = vector.broadcast %broadcast_in_dim3A_84 : i32 to vector<16xi32>
      %gt3A_86 = arith.cmpf ogt, %get3A_83, %select_n3A_76 : vector<16xf32>
      %gt3A_87 = arith.cmpf ogt, %get3A_83, %select_n3A_73 : vector<16xf32>
      %select_n3A_88 = arith.select %gt3A_87, %get3A_83, %select_n3A_73 : vector<16xi1>, vector<16xf32>
      %select_n3A_89 = arith.select %gt3A_86, %select_n3A_76, %select_n3A_88 : vector<16xi1>, vector<16xf32>
      %select_n3A_90 = arith.select %gt3A_87, %broadcast_in_dim3A_85, %select_n3A_75 : vector<16xi1>, vector<16xi32>
      %select_n3A_91 = arith.select %gt3A_86, %select_n3A_77, %select_n3A_90 : vector<16xi1>, vector<16xi32>
      %select_n3A_92 = arith.select %gt3A_86, %get3A_83, %select_n3A_76 : vector<16xi1>, vector<16xf32>
      %select_n3A_93 = arith.select %gt3A_86, %broadcast_in_dim3A_85, %select_n3A_77 : vector<16xi1>, vector<16xi32>
      %mul3A_94 = arith.constant 16 : i32
      %mul3A_95 = arith.muli %scan3A_53, %mul3A_94 : i32
      %get3A_96 = arith.constant 3 : i32
      %get3A_97 = arith.index_cast %get3A_96 : i32 to index
      %get3A_98 = arith.index_cast %mul3A_95 : i32 to index
      %get3A_99 = tpu.vector_load %arg5[%get3A_97, %get3A_98] {strides = array<i32>} : memref<16x128xf32, #tpu.memory_space<vmem>>, vector<16xf32>,
      %broadcast_in_dim3A_100 = arith.constant 3 : i32
      %broadcast_in_dim3A_101 = vector.broadcast %broadcast_in_dim3A_100 : i32 to vector<16xi32>
      %gt3A_102 = arith.cmpf ogt, %get3A_99, %select_n3A_92 : vector<16xf32>
      %gt3A_103 = arith.cmpf ogt, %get3A_99, %select_n3A_89 : vector<16xf32>
      %select_n3A_104 = arith.select %gt3A_103, %get3A_99, %select_n3A_89 : vector<16xi1>, vector<16xf32>
      %select_n3A_105 = arith.select %gt3A_102, %select_n3A_92, %select_n3A_104 : vector<16xi1>, vector<16xf32>
      %select_n3A_106 = arith.select %gt3A_103, %broadcast_in_dim3A_101, %select_n3A_91 : vector<16xi1>, vector<16xi32>
      %select_n3A_107 = arith.select %gt3A_102, %select_n3A_93, %select_n3A_106 : vector<16xi1>, vector<16xi32>
      %select_n3A_108 = arith.select %gt3A_102, %get3A_99, %select_n3A_92 : vector<16xi1>, vector<16xf32>
      %select_n3A_109 = arith.select %gt3A_102, %broadcast_in_dim3A_101, %select_n3A_93 : vector<16xi1>, vector<16xi32>
      %mul3A_110 = arith.constant 16 : i32
      %mul3A_111 = arith.muli %scan3A_53, %mul3A_110 : i32
      %get3A_112 = arith.constant 4 : i32
      %get3A_113 = arith.index_cast %get3A_112 : i32 to index
      %get3A_114 = arith.index_cast %mul3A_111 : i32 to index
      %get3A_115 = tpu.vector_load %arg5[%get3A_113, %get3A_114] {strides = array<i32>} : memref<16x128xf32, #tpu.memory_space<vmem>>, vector<16xf32>,
      %broadcast_in_dim3A_116 = arith.constant 4 : i32
      %broadcast_in_dim3A_117 = vector.broadcast %broadcast_in_dim3A_116 : i32 to vector<16xi32>
      %gt3A_118 = arith.cmpf ogt, %get3A_115, %select_n3A_108 : vector<16xf32>
      %gt3A_119 = arith.cmpf ogt, %get3A_115, %select_n3A_105 : vector<16xf32>
      %select_n3A_120 = arith.select %gt3A_119, %get3A_115, %select_n3A_105 : vector<16xi1>, vector<16xf32>
      %select_n3A_121 = arith.select %gt3A_118, %select_n3A_108, %select_n3A_120 : vector<16xi1>, vector<16xf32>
      %select_n3A_122 = arith.select %gt3A_119, %broadcast_in_dim3A_117, %select_n3A_107 : vector<16xi1>, vector<16xi32>
      %select_n3A_123 = arith.select %gt3A_118, %select_n3A_109, %select_n3A_122 : vector<16xi1>, vector<16xi32>
      %select_n3A_124 = arith.select %gt3A_118, %get3A_115, %select_n3A_108 : vector<16xi1>, vector<16xf32>
      %select_n3A_125 = arith.select %gt3A_118, %broadcast_in_dim3A_117, %select_n3A_109 : vector<16xi1>, vector<16xi32>
      %mul3A_126 = arith.constant 16 : i32
      %mul3A_127 = arith.muli %scan3A_53, %mul3A_126 : i32
      %get3A_128 = arith.constant 5 : i32
      %get3A_129 = arith.index_cast %get3A_128 : i32 to index
      %get3A_130 = arith.index_cast %mul3A_127 : i32 to index
      %get3A_131 = tpu.vector_load %arg5[%get3A_129, %get3A_130] {strides = array<i32>} : memref<16x128xf32, #tpu.memory_space<vmem>>, vector<16xf32>,
      %broadcast_in_dim3A_132 = arith.constant 5 : i32
      %broadcast_in_dim3A_133 = vector.broadcast %broadcast_in_dim3A_132 : i32 to vector<16xi32>
      %gt3A_134 = arith.cmpf ogt, %get3A_131, %select_n3A_124 : vector<16xf32>
      %gt3A_135 = arith.cmpf ogt, %get3A_131, %select_n3A_121 : vector<16xf32>
      %select_n3A_136 = arith.select %gt3A_135, %get3A_131, %select_n3A_121 : vector<16xi1>, vector<16xf32>
      %select_n3A_137 = arith.select %gt3A_134, %select_n3A_124, %select_n3A_136 : vector<16xi1>, vector<16xf32>
      %select_n3A_138 = arith.select %gt3A_135, %broadcast_in_dim3A_133, %select_n3A_123 : vector<16xi1>, vector<16xi32>
      %select_n3A_139 = arith.select %gt3A_134, %select_n3A_125, %select_n3A_138 : vector<16xi1>, vector<16xi32>
      %select_n3A_140 = arith.select %gt3A_134, %get3A_131, %select_n3A_124 : vector<16xi1>, vector<16xf32>
      %select_n3A_141 = arith.select %gt3A_134, %broadcast_in_dim3A_133, %select_n3A_125 : vector<16xi1>, vector<16xi32>
      %mul3A_142 = arith.constant 16 : i32
      %mul3A_143 = arith.muli %scan3A_53, %mul3A_142 : i32
      %get3A_144 = arith.constant 6 : i32
      %get3A_145 = arith.index_cast %get3A_144 : i32 to index
      %get3A_146 = arith.index_cast %mul3A_143 : i32 to index
      %get3A_147 = tpu.vector_load %arg5[%get3A_145, %get3A_146] {strides = array<i32>} : memref<16x128xf32, #tpu.memory_space<vmem>>, vector<16xf32>,
      %broadcast_in_dim3A_148 = arith.constant 6 : i32
      %broadcast_in_dim3A_149 = vector.broadcast %broadcast_in_dim3A_148 : i32 to vector<16xi32>
      %gt3A_150 = arith.cmpf ogt, %get3A_147, %select_n3A_140 : vector<16xf32>
      %gt3A_151 = arith.cmpf ogt, %get3A_147, %select_n3A_137 : vector<16xf32>
      %select_n3A_152 = arith.select %gt3A_151, %get3A_147, %select_n3A_137 : vector<16xi1>, vector<16xf32>
      %select_n3A_153 = arith.select %gt3A_150, %select_n3A_140, %select_n3A_152 : vector<16xi1>, vector<16xf32>
      %select_n3A_154 = arith.select %gt3A_151, %broadcast_in_dim3A_149, %select_n3A_139 : vector<16xi1>, vector<16xi32>
      %select_n3A_155 = arith.select %gt3A_150, %select_n3A_141, %select_n3A_154 : vector<16xi1>, vector<16xi32>
      %select_n3A_156 = arith.select %gt3A_150, %get3A_147, %select_n3A_140 : vector<16xi1>, vector<16xf32>
      %select_n3A_157 = arith.select %gt3A_150, %broadcast_in_dim3A_149, %select_n3A_141 : vector<16xi1>, vector<16xi32>
      %mul3A_158 = arith.constant 16 : i32
      %mul3A_159 = arith.muli %scan3A_53, %mul3A_158 : i32
      %get3A_160 = arith.constant 7 : i32
      %get3A_161 = arith.index_cast %get3A_160 : i32 to index
      %get3A_162 = arith.index_cast %mul3A_159 : i32 to index
      %get3A_163 = tpu.vector_load %arg5[%get3A_161, %get3A_162] {strides = array<i32>} : memref<16x128xf32, #tpu.memory_space<vmem>>, vector<16xf32>,
      %broadcast_in_dim3A_164 = arith.constant 7 : i32
      %broadcast_in_dim3A_165 = vector.broadcast %broadcast_in_dim3A_164 : i32 to vector<16xi32>
      %gt3A_166 = arith.cmpf ogt, %get3A_163, %select_n3A_156 : vector<16xf32>
      %gt3A_167 = arith.cmpf ogt, %get3A_163, %select_n3A_153 : vector<16xf32>
      %select_n3A_168 = arith.select %gt3A_167, %get3A_163, %select_n3A_153 : vector<16xi1>, vector<16xf32>
      %select_n3A_169 = arith.select %gt3A_166, %select_n3A_156, %select_n3A_168 : vector<16xi1>, vector<16xf32>
      %select_n3A_170 = arith.select %gt3A_167, %broadcast_in_dim3A_165, %select_n3A_155 : vector<16xi1>, vector<16xi32>
      %select_n3A_171 = arith.select %gt3A_166, %select_n3A_157, %select_n3A_170 : vector<16xi1>, vector<16xi32>
      %select_n3A_172 = arith.select %gt3A_166, %get3A_163, %select_n3A_156 : vector<16xi1>, vector<16xf32>
      %select_n3A_173 = arith.select %gt3A_166, %broadcast_in_dim3A_165, %select_n3A_157 : vector<16xi1>, vector<16xi32>
      %mul3A_174 = arith.constant 16 : i32
      %mul3A_175 = arith.muli %scan3A_53, %mul3A_174 : i32
      %get3A_176 = arith.constant 8 : i32
      %get3A_177 = arith.index_cast %get3A_176 : i32 to index
      %get3A_178 = arith.index_cast %mul3A_175 : i32 to index
      %get3A_179 = tpu.vector_load %arg5[%get3A_177, %get3A_178] {strides = array<i32>} : memref<16x128xf32, #tpu.memory_space<vmem>>, vector<16xf32>,
      %broadcast_in_dim3A_180 = arith.constant 8 : i32
      %broadcast_in_dim3A_181 = vector.broadcast %broadcast_in_dim3A_180 : i32 to vector<16xi32>
      %gt3A_182 = arith.cmpf ogt, %get3A_179, %select_n3A_172 : vector<16xf32>
      %gt3A_183 = arith.cmpf ogt, %get3A_179, %select_n3A_169 : vector<16xf32>
      %select_n3A_184 = arith.select %gt3A_183, %get3A_179, %select_n3A_169 : vector<16xi1>, vector<16xf32>
      %select_n3A_185 = arith.select %gt3A_182, %select_n3A_172, %select_n3A_184 : vector<16xi1>, vector<16xf32>
      %select_n3A_186 = arith.select %gt3A_183, %broadcast_in_dim3A_181, %select_n3A_171 : vector<16xi1>, vector<16xi32>
      %select_n3A_187 = arith.select %gt3A_182, %select_n3A_173, %select_n3A_186 : vector<16xi1>, vector<16xi32>
      %select_n3A_188 = arith.select %gt3A_182, %get3A_179, %select_n3A_172 : vector<16xi1>, vector<16xf32>
      %select_n3A_189 = arith.select %gt3A_182, %broadcast_in_dim3A_181, %select_n3A_173 : vector<16xi1>, vector<16xi32>
      %mul3A_190 = arith.constant 16 : i32
      %mul3A_191 = arith.muli %scan3A_53, %mul3A_190 : i32
      %get3A_192 = arith.constant 9 : i32
      %get3A_193 = arith.index_cast %get3A_192 : i32 to index
      %get3A_194 = arith.index_cast %mul3A_191 : i32 to index
      %get3A_195 = tpu.vector_load %arg5[%get3A_193, %get3A_194] {strides = array<i32>} : memref<16x128xf32, #tpu.memory_space<vmem>>, vector<16xf32>,
      %broadcast_in_dim3A_196 = arith.constant 9 : i32
      %broadcast_in_dim3A_197 = vector.broadcast %broadcast_in_dim3A_196 : i32 to vector<16xi32>
      %gt3A_198 = arith.cmpf ogt, %get3A_195, %select_n3A_188 : vector<16xf32>
      %gt3A_199 = arith.cmpf ogt, %get3A_195, %select_n3A_185 : vector<16xf32>
      %select_n3A_200 = arith.select %gt3A_199, %get3A_195, %select_n3A_185 : vector<16xi1>, vector<16xf32>
      %select_n3A_201 = arith.select %gt3A_198, %select_n3A_188, %select_n3A_200 : vector<16xi1>, vector<16xf32>
      %select_n3A_202 = arith.select %gt3A_199, %broadcast_in_dim3A_197, %select_n3A_187 : vector<16xi1>, vector<16xi32>
      %select_n3A_203 = arith.select %gt3A_198, %select_n3A_189, %select_n3A_202 : vector<16xi1>, vector<16xi32>
      %select_n3A_204 = arith.select %gt3A_198, %get3A_195, %select_n3A_188 : vector<16xi1>, vector<16xf32>
      %select_n3A_205 = arith.select %gt3A_198, %broadcast_in_dim3A_197, %select_n3A_189 : vector<16xi1>, vector<16xi32>
      %mul3A_206 = arith.constant 16 : i32
      %mul3A_207 = arith.muli %scan3A_53, %mul3A_206 : i32
      %get3A_208 = arith.constant 10 : i32
      %get3A_209 = arith.index_cast %get3A_208 : i32 to index
      %get3A_210 = arith.index_cast %mul3A_207 : i32 to index
      %get3A_211 = tpu.vector_load %arg5[%get3A_209, %get3A_210] {strides = array<i32>} : memref<16x128xf32, #tpu.memory_space<vmem>>, vector<16xf32>,
      %broadcast_in_dim3A_212 = arith.constant 10 : i32
      %broadcast_in_dim3A_213 = vector.broadcast %broadcast_in_dim3A_212 : i32 to vector<16xi32>
      %gt3A_214 = arith.cmpf ogt, %get3A_211, %select_n3A_204 : vector<16xf32>
      %gt3A_215 = arith.cmpf ogt, %get3A_211, %select_n3A_201 : vector<16xf32>
      %select_n3A_216 = arith.select %gt3A_215, %get3A_211, %select_n3A_201 : vector<16xi1>, vector<16xf32>
      %select_n3A_217 = arith.select %gt3A_214, %select_n3A_204, %select_n3A_216 : vector<16xi1>, vector<16xf32>
      %select_n3A_218 = arith.select %gt3A_215, %broadcast_in_dim3A_213, %select_n3A_203 : vector<16xi1>, vector<16xi32>
      %select_n3A_219 = arith.select %gt3A_214, %select_n3A_205, %select_n3A_218 : vector<16xi1>, vector<16xi32>
      %select_n3A_220 = arith.select %gt3A_214, %get3A_211, %select_n3A_204 : vector<16xi1>, vector<16xf32>
      %select_n3A_221 = arith.select %gt3A_214, %broadcast_in_dim3A_213, %select_n3A_205 : vector<16xi1>, vector<16xi32>
      %mul3A_222 = arith.constant 16 : i32
      %mul3A_223 = arith.muli %scan3A_53, %mul3A_222 : i32
      %get3A_224 = arith.constant 11 : i32
      %get3A_225 = arith.index_cast %get3A_224 : i32 to index
      %get3A_226 = arith.index_cast %mul3A_223 : i32 to index
      %get3A_227 = tpu.vector_load %arg5[%get3A_225, %get3A_226] {strides = array<i32>} : memref<16x128xf32, #tpu.memory_space<vmem>>, vector<16xf32>,
      %broadcast_in_dim3A_228 = arith.constant 11 : i32
      %broadcast_in_dim3A_229 = vector.broadcast %broadcast_in_dim3A_228 : i32 to vector<16xi32>
      %gt3A_230 = arith.cmpf ogt, %get3A_227, %select_n3A_220 : vector<16xf32>
      %gt3A_231 = arith.cmpf ogt, %get3A_227, %select_n3A_217 : vector<16xf32>
      %select_n3A_232 = arith.select %gt3A_231, %get3A_227, %select_n3A_217 : vector<16xi1>, vector<16xf32>
      %select_n3A_233 = arith.select %gt3A_230, %select_n3A_220, %select_n3A_232 : vector<16xi1>, vector<16xf32>
      %select_n3A_234 = arith.select %gt3A_231, %broadcast_in_dim3A_229, %select_n3A_219 : vector<16xi1>, vector<16xi32>
      %select_n3A_235 = arith.select %gt3A_230, %select_n3A_221, %select_n3A_234 : vector<16xi1>, vector<16xi32>
      %select_n3A_236 = arith.select %gt3A_230, %get3A_227, %select_n3A_220 : vector<16xi1>, vector<16xf32>
      %select_n3A_237 = arith.select %gt3A_230, %broadcast_in_dim3A_229, %select_n3A_221 : vector<16xi1>, vector<16xi32>
      %mul3A_238 = arith.constant 16 : i32
      %mul3A_239 = arith.muli %scan3A_53, %mul3A_238 : i32
      %get3A_240 = arith.constant 12 : i32
      %get3A_241 = arith.index_cast %get3A_240 : i32 to index
      %get3A_242 = arith.index_cast %mul3A_239 : i32 to index
      %get3A_243 = tpu.vector_load %arg5[%get3A_241, %get3A_242] {strides = array<i32>} : memref<16x128xf32, #tpu.memory_space<vmem>>, vector<16xf32>,
      %broadcast_in_dim3A_244 = arith.constant 12 : i32
      %broadcast_in_dim3A_245 = vector.broadcast %broadcast_in_dim3A_244 : i32 to vector<16xi32>
      %gt3A_246 = arith.cmpf ogt, %get3A_243, %select_n3A_236 : vector<16xf32>
      %gt3A_247 = arith.cmpf ogt, %get3A_243, %select_n3A_233 : vector<16xf32>
      %select_n3A_248 = arith.select %gt3A_247, %get3A_243, %select_n3A_233 : vector<16xi1>, vector<16xf32>
      %select_n3A_249 = arith.select %gt3A_246, %select_n3A_236, %select_n3A_248 : vector<16xi1>, vector<16xf32>
      %select_n3A_250 = arith.select %gt3A_247, %broadcast_in_dim3A_245, %select_n3A_235 : vector<16xi1>, vector<16xi32>
      %select_n3A_251 = arith.select %gt3A_246, %select_n3A_237, %select_n3A_250 : vector<16xi1>, vector<16xi32>
      %select_n3A_252 = arith.select %gt3A_246, %get3A_243, %select_n3A_236 : vector<16xi1>, vector<16xf32>
      %select_n3A_253 = arith.select %gt3A_246, %broadcast_in_dim3A_245, %select_n3A_237 : vector<16xi1>, vector<16xi32>
      %mul3A_254 = arith.constant 16 : i32
      %mul3A_255 = arith.muli %scan3A_53, %mul3A_254 : i32
      %get3A_256 = arith.constant 13 : i32
      %get3A_257 = arith.index_cast %get3A_256 : i32 to index
      %get3A_258 = arith.index_cast %mul3A_255 : i32 to index
      %get3A_259 = tpu.vector_load %arg5[%get3A_257, %get3A_258] {strides = array<i32>} : memref<16x128xf32, #tpu.memory_space<vmem>>, vector<16xf32>,
      %broadcast_in_dim3A_260 = arith.constant 13 : i32
      %broadcast_in_dim3A_261 = vector.broadcast %broadcast_in_dim3A_260 : i32 to vector<16xi32>
      %gt3A_262 = arith.cmpf ogt, %get3A_259, %select_n3A_252 : vector<16xf32>
      %gt3A_263 = arith.cmpf ogt, %get3A_259, %select_n3A_249 : vector<16xf32>
      %select_n3A_264 = arith.select %gt3A_263, %get3A_259, %select_n3A_249 : vector<16xi1>, vector<16xf32>
      %select_n3A_265 = arith.select %gt3A_262, %select_n3A_252, %select_n3A_264 : vector<16xi1>, vector<16xf32>
      %select_n3A_266 = arith.select %gt3A_263, %broadcast_in_dim3A_261, %select_n3A_251 : vector<16xi1>, vector<16xi32>
      %select_n3A_267 = arith.select %gt3A_262, %select_n3A_253, %select_n3A_266 : vector<16xi1>, vector<16xi32>
      %select_n3A_268 = arith.select %gt3A_262, %get3A_259, %select_n3A_252 : vector<16xi1>, vector<16xf32>
      %select_n3A_269 = arith.select %gt3A_262, %broadcast_in_dim3A_261, %select_n3A_253 : vector<16xi1>, vector<16xi32>
      %mul3A_270 = arith.constant 16 : i32
      %mul3A_271 = arith.muli %scan3A_53, %mul3A_270 : i32
      %get3A_272 = arith.constant 14 : i32
      %get3A_273 = arith.index_cast %get3A_272 : i32 to index
      %get3A_274 = arith.index_cast %mul3A_271 : i32 to index
      %get3A_275 = tpu.vector_load %arg5[%get3A_273, %get3A_274] {strides = array<i32>} : memref<16x128xf32, #tpu.memory_space<vmem>>, vector<16xf32>,
      %broadcast_in_dim3A_276 = arith.constant 14 : i32
      %broadcast_in_dim3A_277 = vector.broadcast %broadcast_in_dim3A_276 : i32 to vector<16xi32>
      %gt3A_278 = arith.cmpf ogt, %get3A_275, %select_n3A_268 : vector<16xf32>
      %gt3A_279 = arith.cmpf ogt, %get3A_275, %select_n3A_265 : vector<16xf32>
      %select_n3A_280 = arith.select %gt3A_279, %get3A_275, %select_n3A_265 : vector<16xi1>, vector<16xf32>
      %select_n3A_281 = arith.select %gt3A_278, %select_n3A_268, %select_n3A_280 : vector<16xi1>, vector<16xf32>
      %select_n3A_282 = arith.select %gt3A_279, %broadcast_in_dim3A_277, %select_n3A_267 : vector<16xi1>, vector<16xi32>
      %select_n3A_283 = arith.select %gt3A_278, %select_n3A_269, %select_n3A_282 : vector<16xi1>, vector<16xi32>
      %select_n3A_284 = arith.select %gt3A_278, %get3A_275, %select_n3A_268 : vector<16xi1>, vector<16xf32>
      %select_n3A_285 = arith.select %gt3A_278, %broadcast_in_dim3A_277, %select_n3A_269 : vector<16xi1>, vector<16xi32>
      %mul3A_286 = arith.constant 16 : i32
      %mul3A_287 = arith.muli %scan3A_53, %mul3A_286 : i32
      %get3A_288 = arith.constant 15 : i32
      %get3A_289 = arith.index_cast %get3A_288 : i32 to index
      %get3A_290 = arith.index_cast %mul3A_287 : i32 to index
      %get3A_291 = tpu.vector_load %arg5[%get3A_289, %get3A_290] {strides = array<i32>} : memref<16x128xf32, #tpu.memory_space<vmem>>, vector<16xf32>,
      %broadcast_in_dim3A_292 = arith.constant 15 : i32
      %broadcast_in_dim3A_293 = vector.broadcast %broadcast_in_dim3A_292 : i32 to vector<16xi32>
      %gt3A_294 = arith.cmpf ogt, %get3A_291, %select_n3A_284 : vector<16xf32>
      %gt3A_295 = arith.cmpf ogt, %get3A_291, %select_n3A_281 : vector<16xf32>
      %select_n3A_296 = arith.select %gt3A_295, %get3A_291, %select_n3A_281 : vector<16xi1>, vector<16xf32>
      %select_n3A_297 = arith.select %gt3A_294, %select_n3A_284, %select_n3A_296 : vector<16xi1>, vector<16xf32>
      %select_n3A_298 = arith.select %gt3A_295, %broadcast_in_dim3A_293, %select_n3A_283 : vector<16xi1>, vector<16xi32>
      %select_n3A_299 = arith.select %gt3A_294, %select_n3A_285, %select_n3A_298 : vector<16xi1>, vector<16xi32>
      %select_n3A_300 = arith.select %gt3A_294, %get3A_291, %select_n3A_284 : vector<16xi1>, vector<16xf32>
      %select_n3A_301 = arith.select %gt3A_294, %broadcast_in_dim3A_293, %select_n3A_285 : vector<16xi1>, vector<16xi32>
      %sub3A_302 = arith.subf %select_n3A_297, %select_n3A_300 : vector<16xf32>
      %exp3A = math.exp %sub3A_302 : vector<16xf32>
      %add3A_303 = arith.constant 1.000000e+00 : f32
      %add3A_304 = vector.broadcast %add3A_303 : f32 to vector<16xf32>
      %add3A_305 = arith.addf %add3A_304, %exp3A : vector<16xf32>
      %div3A_306 = arith.constant 1.000000e+00 : f32
      %div3A_307 = vector.broadcast %div3A_306 : f32 to vector<16xf32>
      %div3A_308 = arith.divf %div3A_307, %add3A_305 : vector<16xf32>
      %mul3A_309 = arith.mulf %exp3A, %div3A_308 : vector<16xf32>
      tpu.vector_store_idx %arg6[%add3A_57, %select_n3A_301], %div3A_308 : memref<128x16xf32, #tpu.memory_space<vmem>>[vector<16xi32>, vector<16xi32>], vector<16xf32>,
      tpu.vector_store_idx %arg6[%add3A_57, %select_n3A_299], %mul3A_309 : memref<128x16xf32, #tpu.memory_space<vmem>>[vector<16xi32>, vector<16xi32>], vector<16xf32>,
      tpu.vector_store_idx %arg7[%add3A_57, %broadcast_in_dim3A_42], %select_n3A_301 : memref<128x2xi32, #tpu.memory_space<vmem>>[vector<16xi32>, vector<16xi32>], vector<16xi32>,
      tpu.vector_store_idx %arg7[%add3A_57, %broadcast_in_dim3A_44], %select_n3A_299 : memref<128x2xi32, #tpu.memory_space<vmem>>[vector<16xi32>, vector<16xi32>], vector<16xi32>,
    }
    %scan3A_52 = arith.constant 8 : i32
    "tpu.region"() ({
      %run_scoped3A = tpu.sem_alloc : memref<!tpu.dma_semaphore, #tpu.memory_space<semaphore_mem>>
      %dma_start3A = arith.constant 0 : i32
      %dma_start3A_53 = tpu.memref_slice %arg3[%mul3A_2, %dma_start3A] : memref<4096x16xf32, #tpu.memory_space<hbm>> -> memref<128x16xf32, #tpu.memory_space<hbm>>
      %dma_start3A_54 = arith.constant 0 : i32
      %dma_start3A_55 = tpu.memref_slice %arg3[%mul3A_2, %dma_start3A_54] : memref<4096x16xf32, #tpu.memory_space<hbm>> -> memref<128x16xf32, #tpu.memory_space<hbm>>
      tpu.enqueue_dma source(%arg6 : memref<128x16xf32, #tpu.memory_space<vmem>>) target(%dma_start3A_55 : memref<128x16xf32, #tpu.memory_space<hbm>>) target_semaphore(%run_scoped3A : memref<!tpu.dma_semaphore, #tpu.memory_space<semaphore_mem>>)
      %dma_wait3A = arith.constant 0 : i32
      %dma_wait3A_56 = tpu.memref_slice %arg3[%mul3A_2, %dma_wait3A] : memref<4096x16xf32, #tpu.memory_space<hbm>> -> memref<128x16xf32, #tpu.memory_space<hbm>>
      %dma_wait3A_57 = arith.constant 0 : i32
      %dma_wait3A_58 = tpu.memref_slice %arg3[%mul3A_2, %dma_wait3A_57] : memref<4096x16xf32, #tpu.memory_space<hbm>> -> memref<128x16xf32, #tpu.memory_space<hbm>>
      tpu.wait_dma2 semaphore(%run_scoped3A : memref<!tpu.dma_semaphore, #tpu.memory_space<semaphore_mem>>) src(%arg6 : memref<128x16xf32, #tpu.memory_space<vmem>>) dst(%dma_wait3A_58 : memref<128x16xf32, #tpu.memory_space<hbm>>)
      tpu.yield
    }) : () -> ()
    "tpu.region"() ({
      %run_scoped3A = tpu.sem_alloc : memref<!tpu.dma_semaphore, #tpu.memory_space<semaphore_mem>>
      %dma_start3A = arith.constant 0 : i32
      %dma_start3A_53 = tpu.memref_slice %arg4[%mul3A_2, %dma_start3A] : memref<4096x2xi32, #tpu.memory_space<hbm>> -> memref<128x2xi32, #tpu.memory_space<hbm>>
      %dma_start3A_54 = arith.constant 0 : i32
      %dma_start3A_55 = tpu.memref_slice %arg4[%mul3A_2, %dma_start3A_54] : memref<4096x2xi32, #tpu.memory_space<hbm>> -> memref<128x2xi32, #tpu.memory_space<hbm>>
      tpu.enqueue_dma source(%arg7 : memref<128x2xi32, #tpu.memory_space<vmem>>) target(%dma_start3A_55 : memref<128x2xi32, #tpu.memory_space<hbm>>) target_semaphore(%run_scoped3A : memref<!tpu.dma_semaphore, #tpu.memory_space<semaphore_mem>>)
      %dma_wait3A = arith.constant 0 : i32
      %dma_wait3A_56 = tpu.memref_slice %arg4[%mul3A_2, %dma_wait3A] : memref<4096x2xi32, #tpu.memory_space<hbm>> -> memref<128x2xi32, #tpu.memory_space<hbm>>
      %dma_wait3A_57 = arith.constant 0 : i32
      %dma_wait3A_58 = tpu.memref_slice %arg4[%mul3A_2, %dma_wait3A_57] : memref<4096x2xi32, #tpu.memory_space<hbm>> -> memref<128x2xi32, #tpu.memory_space<hbm>>
      tpu.wait_dma2 semaphore(%run_scoped3A : memref<!tpu.dma_semaphore, #tpu.memory_space<semaphore_mem>>) src(%arg7 : memref<128x2xi32, #tpu.memory_space<vmem>>) dst(%dma_wait3A_58 : memref<128x2xi32, #tpu.memory_space<hbm>>)
      tpu.yield
    }) : () -> ()
    return
  }
}

#map = affine_map<(d0, d1) -> (0, 0, 0)>
#map1 = affine_map<(d0, d1) -> (0, 0)>
module attributes {stable_mosaic.version = 14 : i64} {
  func.func @body(%arg0: i32, %arg1: i32, %arg2: memref<16x16x256xf32, #tpu.memory_space<hbm>>, %arg3: memref<4096x16xf32, #tpu.memory_space<hbm>>, %arg4: memref<4096x2xi32, #tpu.memory_space<hbm>>, %arg5: memref<16x128xf32, #tpu.memory_space<vmem>>, %arg6: memref<128x16xf32, #tpu.memory_space<vmem>>, %arg7: memref<128x2xi32, #tpu.memory_space<vmem>>) attributes {dimension_semantics = [#tpu.dimension_semantics<core_parallel>, #tpu.dimension_semantics<subcore_parallel>], iteration_bounds = array<i64: 2, 16>, scalar_prefetch = 0 : i64, scratch_operands = 3 : i64, tpu.core_type = #tpu.core_type<sc_vector_subcore>, window_params = [{transform_indices = #map}, {transform_indices = #map1}, {transform_indices = #map1}]} {
    %mul3A = arith.constant 2 : i32
    %mul3A_0 = arith.muli %arg1, %mul3A : i32
    %add3A = arith.addi %mul3A_0, %arg0 : i32
    %mul3A_1 = arith.constant 128 : i32
    %mul3A_2 = arith.muli %add3A, %mul3A_1 : i32
    %jit3A = arith.constant 2 : i32
    %div3A = arith.divsi %add3A, %jit3A : i32
    %sign3A = arith.constant 0 : i32
    %sign3A_3 = arith.cmpi sgt, %add3A, %sign3A : i32
    %sign3A_4 = arith.extui %sign3A_3 : i1 to i32
    %sign3A_5 = arith.constant 0 : i32
    %sign3A_6 = arith.cmpi slt, %add3A, %sign3A_5 : i32
    %sign3A_7 = arith.extui %sign3A_6 : i1 to i32
    %sign3A_8 = arith.subi %sign3A_4, %sign3A_7 : i32
    %sign3A_9 = arith.constant 0 : i32
    %sign3A_10 = arith.cmpi sgt, %jit3A, %sign3A_9 : i32
    %sign3A_11 = arith.extui %sign3A_10 : i1 to i32
    %sign3A_12 = arith.constant 0 : i32
    %sign3A_13 = arith.cmpi slt, %jit3A, %sign3A_12 : i32
    %sign3A_14 = arith.extui %sign3A_13 : i1 to i32
    %sign3A_15 = arith.subi %sign3A_11, %sign3A_14 : i32
    %ne3A = arith.cmpi ne, %sign3A_8, %sign3A_15 : i32
    %rem3A = arith.remsi %add3A, %jit3A : i32
    %ne3A_16 = arith.constant 0 : i32
    %ne3A_17 = arith.cmpi ne, %rem3A, %ne3A_16 : i32
    %and3A = arith.andi %ne3A, %ne3A_17 : i1
    %sub3A = arith.constant 1 : i32
    %sub3A_18 = arith.subi %div3A, %sub3A : i32
    %select_n3A = arith.select %and3A, %sub3A_18, %div3A : i32
    %jit3A_19 = arith.constant 2 : i32
    %eq3A = arith.constant 0 : i32
    %eq3A_20 = arith.cmpi eq, %jit3A_19, %eq3A : i32
    %jit3A_21 = arith.constant 1 : i32
    %select_n3A_22 = arith.select %eq3A_20, %jit3A_21, %jit3A_19 : i32
    %rem3A_23 = arith.remsi %add3A, %select_n3A_22 : i32
    %ne3A_24 = arith.constant 0 : i32
    %ne3A_25 = arith.cmpi ne, %rem3A_23, %ne3A_24 : i32
    %lt3A = arith.constant 0 : i32
    %lt3A_26 = arith.cmpi slt, %rem3A_23, %lt3A : i32
    %lt3A_27 = arith.constant 0 : i32
    %lt3A_28 = arith.cmpi slt, %select_n3A_22, %lt3A_27 : i32
    %ne3A_29 = arith.xori %lt3A_26, %lt3A_28 : i1
    %and3A_30 = arith.andi %ne3A_29, %ne3A_25 : i1
    %add3A_31 = arith.addi %rem3A_23, %select_n3A_22 : i32
    %select_n3A_32 = arith.select %and3A_30, %add3A_31, %rem3A_23 : i32
    %mul3A_33 = arith.constant 128 : i32
    %mul3A_34 = arith.muli %select_n3A_32, %mul3A_33 : i32
    "tpu.region"() ({
      %run_scoped3A = tpu.sem_alloc : memref<!tpu.dma_semaphore, #tpu.memory_space<semaphore_mem>>
      %dma_start3A = arith.constant 0 : i32
      %dma_start3A_53 = tpu.memref_slice %arg2[%select_n3A, %dma_start3A, %mul3A_34] : memref<16x16x256xf32, #tpu.memory_space<hbm>> -> memref<1x16x128xf32, #tpu.memory_space<hbm>>
      %dma_start3A_54 = tpu.memref_squeeze %dma_start3A_53 : memref<1x16x128xf32, #tpu.memory_space<hbm>> -> memref<16x128xf32, #tpu.memory_space<hbm>>
      %dma_start3A_55 = arith.constant 0 : i32
      %dma_start3A_56 = tpu.memref_slice %arg2[%select_n3A, %dma_start3A_55, %mul3A_34] : memref<16x16x256xf32, #tpu.memory_space<hbm>> -> memref<1x16x128xf32, #tpu.memory_space<hbm>>
      %dma_start3A_57 = tpu.memref_squeeze %dma_start3A_56 : memref<1x16x128xf32, #tpu.memory_space<hbm>> -> memref<16x128xf32, #tpu.memory_space<hbm>>
      tpu.enqueue_dma source(%dma_start3A_57 : memref<16x128xf32, #tpu.memory_space<hbm>>) target(%arg5 : memref<16x128xf32, #tpu.memory_space<vmem>>) target_semaphore(%run_scoped3A : memref<!tpu.dma_semaphore, #tpu.memory_space<semaphore_mem>>)
      %dma_wait3A = arith.constant 0 : i32
      %dma_wait3A_58 = tpu.memref_slice %arg2[%select_n3A, %dma_wait3A, %mul3A_34] : memref<16x16x256xf32, #tpu.memory_space<hbm>> -> memref<1x16x128xf32, #tpu.memory_space<hbm>>
      %dma_wait3A_59 = tpu.memref_squeeze %dma_wait3A_58 : memref<1x16x128xf32, #tpu.memory_space<hbm>> -> memref<16x128xf32, #tpu.memory_space<hbm>>
      %dma_wait3A_60 = arith.constant 0 : i32
      %dma_wait3A_61 = tpu.memref_slice %arg2[%select_n3A, %dma_wait3A_60, %mul3A_34] : memref<16x16x256xf32, #tpu.memory_space<hbm>> -> memref<1x16x128xf32, #tpu.memory_space<hbm>>
      %dma_wait3A_62 = tpu.memref_squeeze %dma_wait3A_61 : memref<1x16x128xf32, #tpu.memory_space<hbm>> -> memref<16x128xf32, #tpu.memory_space<hbm>>
      tpu.wait_dma2 semaphore(%run_scoped3A : memref<!tpu.dma_semaphore, #tpu.memory_space<semaphore_mem>>) src(%dma_wait3A_62 : memref<16x128xf32, #tpu.memory_space<hbm>>) dst(%arg5 : memref<16x128xf32, #tpu.memory_space<vmem>>)
      tpu.yield
    }) : () -> ()
    %broadcast_in_dim3A = arith.constant 0.000000e+00 : f32
    %broadcast_in_dim3A_35 = vector.broadcast %broadcast_in_dim3A : f32 to vector<16xf32>
    %scan3A = arith.constant 0 : i32
    %scan3A_36 = arith.constant 0 : i32
    %scan3A_37 = arith.constant 128 : i32
    %scan3A_38 = arith.addi %scan3A_36, %scan3A_37 : i32
    %scan3A_39 = arith.constant 1 : i32
    scf.for %scan3A_53 = %scan3A_36 to %scan3A_38 step %scan3A_39  : i32 {
      %swap3A = arith.index_cast %scan3A_53 : i32 to index
      %swap3A_54 = arith.constant 0 : index
      %swap3A_55 = tpu.vector_load %arg6[%swap3A, %swap3A_54] {strides = array<i32>} : memref<128x16xf32, #tpu.memory_space<vmem>>, vector<16xf32>,
      tpu.vector_store %arg6[%swap3A, %swap3A_54], %broadcast_in_dim3A_35 {strides = array<i32>} : memref<128x16xf32, #tpu.memory_space<vmem>>, vector<16xf32>,
    }
    %scan3A_40 = arith.constant 128 : i32
    %iota3A = tpu.iota {dimensions = array<i32: 0>} : vector<16xi32>
    %broadcast_in_dim3A_41 = arith.constant 0 : i32
    %broadcast_in_dim3A_42 = vector.broadcast %broadcast_in_dim3A_41 : i32 to vector<16xi32>
    %broadcast_in_dim3A_43 = arith.constant 1 : i32
    %broadcast_in_dim3A_44 = vector.broadcast %broadcast_in_dim3A_43 : i32 to vector<16xi32>
    %broadcast_in_dim3A_45 = arith.constant 0xFF800000 : f32
    %broadcast_in_dim3A_46 = vector.broadcast %broadcast_in_dim3A_45 : f32 to vector<16xf32>
    %scan3A_47 = arith.constant 0 : i32
    %scan3A_48 = arith.constant 0 : i32
    %scan3A_49 = arith.constant 8 : i32
    %scan3A_50 = arith.addi %scan3A_48, %scan3A_49 : i32
    %scan3A_51 = arith.constant 1 : i32
    scf.for %scan3A_53 = %scan3A_48 to %scan3A_50 step %scan3A_51  : i32 {
      %mul3A_54 = arith.constant 16 : i32
      %mul3A_55 = arith.muli %scan3A_53, %mul3A_54 : i32
      %add3A_56 = vector.broadcast %mul3A_55 : i32 to vector<16xi32>
      %add3A_57 = arith.addi %add3A_56, %iota3A : vector<16xi32>
      %mul3A_58 = arith.constant 16 : i32
      %mul3A_59 = arith.muli %scan3A_53, %mul3A_58 : i32
      %get3A = arith.constant 0 : i32
      %get3A_60 = arith.index_cast %get3A : i32 to index
      %get3A_61 = arith.index_cast %mul3A_59 : i32 to index
      %get3A_62 = tpu.vector_load %arg5[%get3A_60, %get3A_61] {strides = array<i32>} : memref<16x128xf32, #tpu.memory_space<vmem>>, vector<16xf32>,
      %mul3A_63 = arith.constant 16 : i32
      %mul3A_64 = arith.muli %scan3A_53, %mul3A_63 : i32
      %get3A_65 = arith.constant 1 : i32
      %get3A_66 = arith.index_cast %get3A_65 : i32 to index
      %get3A_67 = arith.index_cast %mul3A_64 : i32 to index
      %get3A_68 = tpu.vector_load %arg5[%get3A_66, %get3A_67] {strides = array<i32>} : memref<16x128xf32, #tpu.memory_space<vmem>>, vector<16xf32>,
      %broadcast_in_dim3A_69 = arith.constant 1 : i32
      %broadcast_in_dim3A_70 = vector.broadcast %broadcast_in_dim3A_69 : i32 to vector<16xi32>
      %gt3A = arith.cmpf ogt, %get3A_68, %get3A_62 : vector<16xf32>
      %gt3A_71 = arith.cmpf ogt, %get3A_68, %broadcast_in_dim3A_46 : vector<16xf32>
      %select_n3A_72 = arith.select %gt3A_71, %get3A_68, %broadcast_in_dim3A_46 : vector<16xi1>, vector<16xf32>
      %select_n3A_73 = arith.select %gt3A, %get3A_62, %select_n3A_72 : vector<16xi1>, vector<16xf32>
      %select_n3A_74 = arith.select %gt3A_71, %broadcast_in_dim3A_70, %broadcast_in_dim3A_42 : vector<16xi1>, vector<16xi32>
      %select_n3A_75 = arith.select %gt3A, %broadcast_in_dim3A_42, %select_n3A_74 : vector<16xi1>, vector<16xi32>
      %select_n3A_76 = arith.select %gt3A, %get3A_68, %get3A_62 : vector<16xi1>, vector<16xf32>
      %select_n3A_77 = arith.select %gt3A, %broadcast_in_dim3A_70, %broadcast_in_dim3A_42 : vector<16xi1>, vector<16xi32>
      %mul3A_78 = arith.constant 16 : i32
      %mul3A_79 = arith.muli %scan3A_53, %mul3A_78 : i32
      %get3A_80 = arith.constant 2 : i32
      %get3A_81 = arith.index_cast %get3A_80 : i32 to index
      %get3A_82 = arith.index_cast %mul3A_79 : i32 to index
      %get3A_83 = tpu.vector_load %arg5[%get3A_81, %get3A_82] {strides = array<i32>} : memref<16x128xf32, #tpu.memory_space<vmem>>, vector<16xf32>,
      %broadcast_in_dim3A_84 = arith.constant 2 : i32
      %broadcast_in_dim3A_85 = vector.broadcast %broadcast_in_dim3A_84 : i32 to vector<16xi32>
      %gt3A_86 = arith.cmpf ogt, %get3A_83, %select_n3A_76 : vector<16xf32>
      %gt3A_87 = arith.cmpf ogt, %get3A_83, %select_n3A_73 : vector<16xf32>
      %select_n3A_88 = arith.select %gt3A_87, %get3A_83, %select_n3A_73 : vector<16xi1>, vector<16xf32>
      %select_n3A_89 = arith.select %gt3A_86, %select_n3A_76, %select_n3A_88 : vector<16xi1>, vector<16xf32>
      %select_n3A_90 = arith.select %gt3A_87, %broadcast_in_dim3A_85, %select_n3A_75 : vector<16xi1>, vector<16xi32>
      %select_n3A_91 = arith.select %gt3A_86, %select_n3A_77, %select_n3A_90 : vector<16xi1>, vector<16xi32>
      %select_n3A_92 = arith.select %gt3A_86, %get3A_83, %select_n3A_76 : vector<16xi1>, vector<16xf32>
      %select_n3A_93 = arith.select %gt3A_86, %broadcast_in_dim3A_85, %select_n3A_77 : vector<16xi1>, vector<16xi32>
      %mul3A_94 = arith.constant 16 : i32
      %mul3A_95 = arith.muli %scan3A_53, %mul3A_94 : i32
      %get3A_96 = arith.constant 3 : i32
      %get3A_97 = arith.index_cast %get3A_96 : i32 to index
      %get3A_98 = arith.index_cast %mul3A_95 : i32 to index
      %get3A_99 = tpu.vector_load %arg5[%get3A_97, %get3A_98] {strides = array<i32>} : memref<16x128xf32, #tpu.memory_space<vmem>>, vector<16xf32>,
      %broadcast_in_dim3A_100 = arith.constant 3 : i32
      %broadcast_in_dim3A_101 = vector.broadcast %broadcast_in_dim3A_100 : i32 to vector<16xi32>
      %gt3A_102 = arith.cmpf ogt, %get3A_99, %select_n3A_92 : vector<16xf32>
      %gt3A_103 = arith.cmpf ogt, %get3A_99, %select_n3A_89 : vector<16xf32>
      %select_n3A_104 = arith.select %gt3A_103, %get3A_99, %select_n3A_89 : vector<16xi1>, vector<16xf32>
      %select_n3A_105 = arith.select %gt3A_102, %select_n3A_92, %select_n3A_104 : vector<16xi1>, vector<16xf32>
      %select_n3A_106 = arith.select %gt3A_103, %broadcast_in_dim3A_101, %select_n3A_91 : vector<16xi1>, vector<16xi32>
      %select_n3A_107 = arith.select %gt3A_102, %select_n3A_93, %select_n3A_106 : vector<16xi1>, vector<16xi32>
      %select_n3A_108 = arith.select %gt3A_102, %get3A_99, %select_n3A_92 : vector<16xi1>, vector<16xf32>
      %select_n3A_109 = arith.select %gt3A_102, %broadcast_in_dim3A_101, %select_n3A_93 : vector<16xi1>, vector<16xi32>
      %mul3A_110 = arith.constant 16 : i32
      %mul3A_111 = arith.muli %scan3A_53, %mul3A_110 : i32
      %get3A_112 = arith.constant 4 : i32
      %get3A_113 = arith.index_cast %get3A_112 : i32 to index
      %get3A_114 = arith.index_cast %mul3A_111 : i32 to index
      %get3A_115 = tpu.vector_load %arg5[%get3A_113, %get3A_114] {strides = array<i32>} : memref<16x128xf32, #tpu.memory_space<vmem>>, vector<16xf32>,
      %broadcast_in_dim3A_116 = arith.constant 4 : i32
      %broadcast_in_dim3A_117 = vector.broadcast %broadcast_in_dim3A_116 : i32 to vector<16xi32>
      %gt3A_118 = arith.cmpf ogt, %get3A_115, %select_n3A_108 : vector<16xf32>
      %gt3A_119 = arith.cmpf ogt, %get3A_115, %select_n3A_105 : vector<16xf32>
      %select_n3A_120 = arith.select %gt3A_119, %get3A_115, %select_n3A_105 : vector<16xi1>, vector<16xf32>
      %select_n3A_121 = arith.select %gt3A_118, %select_n3A_108, %select_n3A_120 : vector<16xi1>, vector<16xf32>
      %select_n3A_122 = arith.select %gt3A_119, %broadcast_in_dim3A_117, %select_n3A_107 : vector<16xi1>, vector<16xi32>
      %select_n3A_123 = arith.select %gt3A_118, %select_n3A_109, %select_n3A_122 : vector<16xi1>, vector<16xi32>
      %select_n3A_124 = arith.select %gt3A_118, %get3A_115, %select_n3A_108 : vector<16xi1>, vector<16xf32>
      %select_n3A_125 = arith.select %gt3A_118, %broadcast_in_dim3A_117, %select_n3A_109 : vector<16xi1>, vector<16xi32>
      %mul3A_126 = arith.constant 16 : i32
      %mul3A_127 = arith.muli %scan3A_53, %mul3A_126 : i32
      %get3A_128 = arith.constant 5 : i32
      %get3A_129 = arith.index_cast %get3A_128 : i32 to index
      %get3A_130 = arith.index_cast %mul3A_127 : i32 to index
      %get3A_131 = tpu.vector_load %arg5[%get3A_129, %get3A_130] {strides = array<i32>} : memref<16x128xf32, #tpu.memory_space<vmem>>, vector<16xf32>,
      %broadcast_in_dim3A_132 = arith.constant 5 : i32
      %broadcast_in_dim3A_133 = vector.broadcast %broadcast_in_dim3A_132 : i32 to vector<16xi32>
      %gt3A_134 = arith.cmpf ogt, %get3A_131, %select_n3A_124 : vector<16xf32>
      %gt3A_135 = arith.cmpf ogt, %get3A_131, %select_n3A_121 : vector<16xf32>
      %select_n3A_136 = arith.select %gt3A_135, %get3A_131, %select_n3A_121 : vector<16xi1>, vector<16xf32>
      %select_n3A_137 = arith.select %gt3A_134, %select_n3A_124, %select_n3A_136 : vector<16xi1>, vector<16xf32>
      %select_n3A_138 = arith.select %gt3A_135, %broadcast_in_dim3A_133, %select_n3A_123 : vector<16xi1>, vector<16xi32>
      %select_n3A_139 = arith.select %gt3A_134, %select_n3A_125, %select_n3A_138 : vector<16xi1>, vector<16xi32>
      %select_n3A_140 = arith.select %gt3A_134, %get3A_131, %select_n3A_124 : vector<16xi1>, vector<16xf32>
      %select_n3A_141 = arith.select %gt3A_134, %broadcast_in_dim3A_133, %select_n3A_125 : vector<16xi1>, vector<16xi32>
      %mul3A_142 = arith.constant 16 : i32
      %mul3A_143 = arith.muli %scan3A_53, %mul3A_142 : i32
      %get3A_144 = arith.constant 6 : i32
      %get3A_145 = arith.index_cast %get3A_144 : i32 to index
      %get3A_146 = arith.index_cast %mul3A_143 : i32 to index
      %get3A_147 = tpu.vector_load %arg5[%get3A_145, %get3A_146] {strides = array<i32>} : memref<16x128xf32, #tpu.memory_space<vmem>>, vector<16xf32>,
      %broadcast_in_dim3A_148 = arith.constant 6 : i32
      %broadcast_in_dim3A_149 = vector.broadcast %broadcast_in_dim3A_148 : i32 to vector<16xi32>
      %gt3A_150 = arith.cmpf ogt, %get3A_147, %select_n3A_140 : vector<16xf32>
      %gt3A_151 = arith.cmpf ogt, %get3A_147, %select_n3A_137 : vector<16xf32>
      %select_n3A_152 = arith.select %gt3A_151, %get3A_147, %select_n3A_137 : vector<16xi1>, vector<16xf32>
      %select_n3A_153 = arith.select %gt3A_150, %select_n3A_140, %select_n3A_152 : vector<16xi1>, vector<16xf32>
      %select_n3A_154 = arith.select %gt3A_151, %broadcast_in_dim3A_149, %select_n3A_139 : vector<16xi1>, vector<16xi32>
      %select_n3A_155 = arith.select %gt3A_150, %select_n3A_141, %select_n3A_154 : vector<16xi1>, vector<16xi32>
      %select_n3A_156 = arith.select %gt3A_150, %get3A_147, %select_n3A_140 : vector<16xi1>, vector<16xf32>
      %select_n3A_157 = arith.select %gt3A_150, %broadcast_in_dim3A_149, %select_n3A_141 : vector<16xi1>, vector<16xi32>
      %mul3A_158 = arith.constant 16 : i32
      %mul3A_159 = arith.muli %scan3A_53, %mul3A_158 : i32
      %get3A_160 = arith.constant 7 : i32
      %get3A_161 = arith.index_cast %get3A_160 : i32 to index
      %get3A_162 = arith.index_cast %mul3A_159 : i32 to index
      %get3A_163 = tpu.vector_load %arg5[%get3A_161, %get3A_162] {strides = array<i32>} : memref<16x128xf32, #tpu.memory_space<vmem>>, vector<16xf32>,
      %broadcast_in_dim3A_164 = arith.constant 7 : i32
      %broadcast_in_dim3A_165 = vector.broadcast %broadcast_in_dim3A_164 : i32 to vector<16xi32>
      %gt3A_166 = arith.cmpf ogt, %get3A_163, %select_n3A_156 : vector<16xf32>
      %gt3A_167 = arith.cmpf ogt, %get3A_163, %select_n3A_153 : vector<16xf32>
      %select_n3A_168 = arith.select %gt3A_167, %get3A_163, %select_n3A_153 : vector<16xi1>, vector<16xf32>
      %select_n3A_169 = arith.select %gt3A_166, %select_n3A_156, %select_n3A_168 : vector<16xi1>, vector<16xf32>
      %select_n3A_170 = arith.select %gt3A_167, %broadcast_in_dim3A_165, %select_n3A_155 : vector<16xi1>, vector<16xi32>
      %select_n3A_171 = arith.select %gt3A_166, %select_n3A_157, %select_n3A_170 : vector<16xi1>, vector<16xi32>
      %select_n3A_172 = arith.select %gt3A_166, %get3A_163, %select_n3A_156 : vector<16xi1>, vector<16xf32>
      %select_n3A_173 = arith.select %gt3A_166, %broadcast_in_dim3A_165, %select_n3A_157 : vector<16xi1>, vector<16xi32>
      %mul3A_174 = arith.constant 16 : i32
      %mul3A_175 = arith.muli %scan3A_53, %mul3A_174 : i32
      %get3A_176 = arith.constant 8 : i32
      %get3A_177 = arith.index_cast %get3A_176 : i32 to index
      %get3A_178 = arith.index_cast %mul3A_175 : i32 to index
      %get3A_179 = tpu.vector_load %arg5[%get3A_177, %get3A_178] {strides = array<i32>} : memref<16x128xf32, #tpu.memory_space<vmem>>, vector<16xf32>,
      %broadcast_in_dim3A_180 = arith.constant 8 : i32
      %broadcast_in_dim3A_181 = vector.broadcast %broadcast_in_dim3A_180 : i32 to vector<16xi32>
      %gt3A_182 = arith.cmpf ogt, %get3A_179, %select_n3A_172 : vector<16xf32>
      %gt3A_183 = arith.cmpf ogt, %get3A_179, %select_n3A_169 : vector<16xf32>
      %select_n3A_184 = arith.select %gt3A_183, %get3A_179, %select_n3A_169 : vector<16xi1>, vector<16xf32>
      %select_n3A_185 = arith.select %gt3A_182, %select_n3A_172, %select_n3A_184 : vector<16xi1>, vector<16xf32>
      %select_n3A_186 = arith.select %gt3A_183, %broadcast_in_dim3A_181, %select_n3A_171 : vector<16xi1>, vector<16xi32>
      %select_n3A_187 = arith.select %gt3A_182, %select_n3A_173, %select_n3A_186 : vector<16xi1>, vector<16xi32>
      %select_n3A_188 = arith.select %gt3A_182, %get3A_179, %select_n3A_172 : vector<16xi1>, vector<16xf32>
      %select_n3A_189 = arith.select %gt3A_182, %broadcast_in_dim3A_181, %select_n3A_173 : vector<16xi1>, vector<16xi32>
      %mul3A_190 = arith.constant 16 : i32
      %mul3A_191 = arith.muli %scan3A_53, %mul3A_190 : i32
      %get3A_192 = arith.constant 9 : i32
      %get3A_193 = arith.index_cast %get3A_192 : i32 to index
      %get3A_194 = arith.index_cast %mul3A_191 : i32 to index
      %get3A_195 = tpu.vector_load %arg5[%get3A_193, %get3A_194] {strides = array<i32>} : memref<16x128xf32, #tpu.memory_space<vmem>>, vector<16xf32>,
      %broadcast_in_dim3A_196 = arith.constant 9 : i32
      %broadcast_in_dim3A_197 = vector.broadcast %broadcast_in_dim3A_196 : i32 to vector<16xi32>
      %gt3A_198 = arith.cmpf ogt, %get3A_195, %select_n3A_188 : vector<16xf32>
      %gt3A_199 = arith.cmpf ogt, %get3A_195, %select_n3A_185 : vector<16xf32>
      %select_n3A_200 = arith.select %gt3A_199, %get3A_195, %select_n3A_185 : vector<16xi1>, vector<16xf32>
      %select_n3A_201 = arith.select %gt3A_198, %select_n3A_188, %select_n3A_200 : vector<16xi1>, vector<16xf32>
      %select_n3A_202 = arith.select %gt3A_199, %broadcast_in_dim3A_197, %select_n3A_187 : vector<16xi1>, vector<16xi32>
      %select_n3A_203 = arith.select %gt3A_198, %select_n3A_189, %select_n3A_202 : vector<16xi1>, vector<16xi32>
      %select_n3A_204 = arith.select %gt3A_198, %get3A_195, %select_n3A_188 : vector<16xi1>, vector<16xf32>
      %select_n3A_205 = arith.select %gt3A_198, %broadcast_in_dim3A_197, %select_n3A_189 : vector<16xi1>, vector<16xi32>
      %mul3A_206 = arith.constant 16 : i32
      %mul3A_207 = arith.muli %scan3A_53, %mul3A_206 : i32
      %get3A_208 = arith.constant 10 : i32
      %get3A_209 = arith.index_cast %get3A_208 : i32 to index
      %get3A_210 = arith.index_cast %mul3A_207 : i32 to index
      %get3A_211 = tpu.vector_load %arg5[%get3A_209, %get3A_210] {strides = array<i32>} : memref<16x128xf32, #tpu.memory_space<vmem>>, vector<16xf32>,
      %broadcast_in_dim3A_212 = arith.constant 10 : i32
      %broadcast_in_dim3A_213 = vector.broadcast %broadcast_in_dim3A_212 : i32 to vector<16xi32>
      %gt3A_214 = arith.cmpf ogt, %get3A_211, %select_n3A_204 : vector<16xf32>
      %gt3A_215 = arith.cmpf ogt, %get3A_211, %select_n3A_201 : vector<16xf32>
      %select_n3A_216 = arith.select %gt3A_215, %get3A_211, %select_n3A_201 : vector<16xi1>, vector<16xf32>
      %select_n3A_217 = arith.select %gt3A_214, %select_n3A_204, %select_n3A_216 : vector<16xi1>, vector<16xf32>
      %select_n3A_218 = arith.select %gt3A_215, %broadcast_in_dim3A_213, %select_n3A_203 : vector<16xi1>, vector<16xi32>
      %select_n3A_219 = arith.select %gt3A_214, %select_n3A_205, %select_n3A_218 : vector<16xi1>, vector<16xi32>
      %select_n3A_220 = arith.select %gt3A_214, %get3A_211, %select_n3A_204 : vector<16xi1>, vector<16xf32>
      %select_n3A_221 = arith.select %gt3A_214, %broadcast_in_dim3A_213, %select_n3A_205 : vector<16xi1>, vector<16xi32>
      %mul3A_222 = arith.constant 16 : i32
      %mul3A_223 = arith.muli %scan3A_53, %mul3A_222 : i32
      %get3A_224 = arith.constant 11 : i32
      %get3A_225 = arith.index_cast %get3A_224 : i32 to index
      %get3A_226 = arith.index_cast %mul3A_223 : i32 to index
      %get3A_227 = tpu.vector_load %arg5[%get3A_225, %get3A_226] {strides = array<i32>} : memref<16x128xf32, #tpu.memory_space<vmem>>, vector<16xf32>,
      %broadcast_in_dim3A_228 = arith.constant 11 : i32
      %broadcast_in_dim3A_229 = vector.broadcast %broadcast_in_dim3A_228 : i32 to vector<16xi32>
      %gt3A_230 = arith.cmpf ogt, %get3A_227, %select_n3A_220 : vector<16xf32>
      %gt3A_231 = arith.cmpf ogt, %get3A_227, %select_n3A_217 : vector<16xf32>
      %select_n3A_232 = arith.select %gt3A_231, %get3A_227, %select_n3A_217 : vector<16xi1>, vector<16xf32>
      %select_n3A_233 = arith.select %gt3A_230, %select_n3A_220, %select_n3A_232 : vector<16xi1>, vector<16xf32>
      %select_n3A_234 = arith.select %gt3A_231, %broadcast_in_dim3A_229, %select_n3A_219 : vector<16xi1>, vector<16xi32>
      %select_n3A_235 = arith.select %gt3A_230, %select_n3A_221, %select_n3A_234 : vector<16xi1>, vector<16xi32>
      %select_n3A_236 = arith.select %gt3A_230, %get3A_227, %select_n3A_220 : vector<16xi1>, vector<16xf32>
      %select_n3A_237 = arith.select %gt3A_230, %broadcast_in_dim3A_229, %select_n3A_221 : vector<16xi1>, vector<16xi32>
      %mul3A_238 = arith.constant 16 : i32
      %mul3A_239 = arith.muli %scan3A_53, %mul3A_238 : i32
      %get3A_240 = arith.constant 12 : i32
      %get3A_241 = arith.index_cast %get3A_240 : i32 to index
      %get3A_242 = arith.index_cast %mul3A_239 : i32 to index
      %get3A_243 = tpu.vector_load %arg5[%get3A_241, %get3A_242] {strides = array<i32>} : memref<16x128xf32, #tpu.memory_space<vmem>>, vector<16xf32>,
      %broadcast_in_dim3A_244 = arith.constant 12 : i32
      %broadcast_in_dim3A_245 = vector.broadcast %broadcast_in_dim3A_244 : i32 to vector<16xi32>
      %gt3A_246 = arith.cmpf ogt, %get3A_243, %select_n3A_236 : vector<16xf32>
      %gt3A_247 = arith.cmpf ogt, %get3A_243, %select_n3A_233 : vector<16xf32>
      %select_n3A_248 = arith.select %gt3A_247, %get3A_243, %select_n3A_233 : vector<16xi1>, vector<16xf32>
      %select_n3A_249 = arith.select %gt3A_246, %select_n3A_236, %select_n3A_248 : vector<16xi1>, vector<16xf32>
      %select_n3A_250 = arith.select %gt3A_247, %broadcast_in_dim3A_245, %select_n3A_235 : vector<16xi1>, vector<16xi32>
      %select_n3A_251 = arith.select %gt3A_246, %select_n3A_237, %select_n3A_250 : vector<16xi1>, vector<16xi32>
      %select_n3A_252 = arith.select %gt3A_246, %get3A_243, %select_n3A_236 : vector<16xi1>, vector<16xf32>
      %select_n3A_253 = arith.select %gt3A_246, %broadcast_in_dim3A_245, %select_n3A_237 : vector<16xi1>, vector<16xi32>
      %mul3A_254 = arith.constant 16 : i32
      %mul3A_255 = arith.muli %scan3A_53, %mul3A_254 : i32
      %get3A_256 = arith.constant 13 : i32
      %get3A_257 = arith.index_cast %get3A_256 : i32 to index
      %get3A_258 = arith.index_cast %mul3A_255 : i32 to index
      %get3A_259 = tpu.vector_load %arg5[%get3A_257, %get3A_258] {strides = array<i32>} : memref<16x128xf32, #tpu.memory_space<vmem>>, vector<16xf32>,
      %broadcast_in_dim3A_260 = arith.constant 13 : i32
      %broadcast_in_dim3A_261 = vector.broadcast %broadcast_in_dim3A_260 : i32 to vector<16xi32>
      %gt3A_262 = arith.cmpf ogt, %get3A_259, %select_n3A_252 : vector<16xf32>
      %gt3A_263 = arith.cmpf ogt, %get3A_259, %select_n3A_249 : vector<16xf32>
      %select_n3A_264 = arith.select %gt3A_263, %get3A_259, %select_n3A_249 : vector<16xi1>, vector<16xf32>
      %select_n3A_265 = arith.select %gt3A_262, %select_n3A_252, %select_n3A_264 : vector<16xi1>, vector<16xf32>
      %select_n3A_266 = arith.select %gt3A_263, %broadcast_in_dim3A_261, %select_n3A_251 : vector<16xi1>, vector<16xi32>
      %select_n3A_267 = arith.select %gt3A_262, %select_n3A_253, %select_n3A_266 : vector<16xi1>, vector<16xi32>
      %select_n3A_268 = arith.select %gt3A_262, %get3A_259, %select_n3A_252 : vector<16xi1>, vector<16xf32>
      %select_n3A_269 = arith.select %gt3A_262, %broadcast_in_dim3A_261, %select_n3A_253 : vector<16xi1>, vector<16xi32>
      %mul3A_270 = arith.constant 16 : i32
      %mul3A_271 = arith.muli %scan3A_53, %mul3A_270 : i32
      %get3A_272 = arith.constant 14 : i32
      %get3A_273 = arith.index_cast %get3A_272 : i32 to index
      %get3A_274 = arith.index_cast %mul3A_271 : i32 to index
      %get3A_275 = tpu.vector_load %arg5[%get3A_273, %get3A_274] {strides = array<i32>} : memref<16x128xf32, #tpu.memory_space<vmem>>, vector<16xf32>,
      %broadcast_in_dim3A_276 = arith.constant 14 : i32
      %broadcast_in_dim3A_277 = vector.broadcast %broadcast_in_dim3A_276 : i32 to vector<16xi32>
      %gt3A_278 = arith.cmpf ogt, %get3A_275, %select_n3A_268 : vector<16xf32>
      %gt3A_279 = arith.cmpf ogt, %get3A_275, %select_n3A_265 : vector<16xf32>
      %select_n3A_280 = arith.select %gt3A_279, %get3A_275, %select_n3A_265 : vector<16xi1>, vector<16xf32>
      %select_n3A_281 = arith.select %gt3A_278, %select_n3A_268, %select_n3A_280 : vector<16xi1>, vector<16xf32>
      %select_n3A_282 = arith.select %gt3A_279, %broadcast_in_dim3A_277, %select_n3A_267 : vector<16xi1>, vector<16xi32>
      %select_n3A_283 = arith.select %gt3A_278, %select_n3A_269, %select_n3A_282 : vector<16xi1>, vector<16xi32>
      %select_n3A_284 = arith.select %gt3A_278, %get3A_275, %select_n3A_268 : vector<16xi1>, vector<16xf32>
      %select_n3A_285 = arith.select %gt3A_278, %broadcast_in_dim3A_277, %select_n3A_269 : vector<16xi1>, vector<16xi32>
      %mul3A_286 = arith.constant 16 : i32
      %mul3A_287 = arith.muli %scan3A_53, %mul3A_286 : i32
      %get3A_288 = arith.constant 15 : i32
      %get3A_289 = arith.index_cast %get3A_288 : i32 to index
      %get3A_290 = arith.index_cast %mul3A_287 : i32 to index
      %get3A_291 = tpu.vector_load %arg5[%get3A_289, %get3A_290] {strides = array<i32>} : memref<16x128xf32, #tpu.memory_space<vmem>>, vector<16xf32>,
      %broadcast_in_dim3A_292 = arith.constant 15 : i32
      %broadcast_in_dim3A_293 = vector.broadcast %broadcast_in_dim3A_292 : i32 to vector<16xi32>
      %gt3A_294 = arith.cmpf ogt, %get3A_291, %select_n3A_284 : vector<16xf32>
      %gt3A_295 = arith.cmpf ogt, %get3A_291, %select_n3A_281 : vector<16xf32>
      %select_n3A_296 = arith.select %gt3A_295, %get3A_291, %select_n3A_281 : vector<16xi1>, vector<16xf32>
      %select_n3A_297 = arith.select %gt3A_294, %select_n3A_284, %select_n3A_296 : vector<16xi1>, vector<16xf32>
      %select_n3A_298 = arith.select %gt3A_295, %broadcast_in_dim3A_293, %select_n3A_283 : vector<16xi1>, vector<16xi32>
      %select_n3A_299 = arith.select %gt3A_294, %select_n3A_285, %select_n3A_298 : vector<16xi1>, vector<16xi32>
      %select_n3A_300 = arith.select %gt3A_294, %get3A_291, %select_n3A_284 : vector<16xi1>, vector<16xf32>
      %select_n3A_301 = arith.select %gt3A_294, %broadcast_in_dim3A_293, %select_n3A_285 : vector<16xi1>, vector<16xi32>
      %sub3A_302 = arith.subf %select_n3A_297, %select_n3A_300 : vector<16xf32>
      %exp3A = math.exp %sub3A_302 : vector<16xf32>
      %add3A_303 = arith.constant 1.000000e+00 : f32
      %add3A_304 = vector.broadcast %add3A_303 : f32 to vector<16xf32>
      %add3A_305 = arith.addf %add3A_304, %exp3A : vector<16xf32>
      %div3A_306 = arith.constant 1.000000e+00 : f32
      %div3A_307 = vector.broadcast %div3A_306 : f32 to vector<16xf32>
      %div3A_308 = arith.divf %div3A_307, %add3A_305 : vector<16xf32>
      %mul3A_309 = arith.mulf %exp3A, %div3A_308 : vector<16xf32>
      tpu.vector_store_idx %arg6[%add3A_57, %select_n3A_301], %div3A_308 : memref<128x16xf32, #tpu.memory_space<vmem>>[vector<16xi32>, vector<16xi32>], vector<16xf32>,
      tpu.vector_store_idx %arg6[%add3A_57, %select_n3A_299], %mul3A_309 : memref<128x16xf32, #tpu.memory_space<vmem>>[vector<16xi32>, vector<16xi32>], vector<16xf32>,
      tpu.vector_store_idx %arg7[%add3A_57, %broadcast_in_dim3A_42], %select_n3A_301 : memref<128x2xi32, #tpu.memory_space<vmem>>[vector<16xi32>, vector<16xi32>], vector<16xi32>,
      tpu.vector_store_idx %arg7[%add3A_57, %broadcast_in_dim3A_44], %select_n3A_299 : memref<128x2xi32, #tpu.memory_space<vmem>>[vector<16xi32>, vector<16xi32>], vector<16xi32>,
    }
    %scan3A_52 = arith.constant 8 : i32
    "tpu.region"() ({
      %run_scoped3A = tpu.sem_alloc : memref<!tpu.dma_semaphore, #tpu.memory_space<semaphore_mem>>
      %dma_start3A = arith.constant 0 : i32
      %dma_start3A_53 = tpu.memref_slice %arg3[%mul3A_2, %dma_start3A] : memref<4096x16xf32, #tpu.memory_space<hbm>> -> memref<128x16xf32, #tpu.memory_space<hbm>>
      %dma_start3A_54 = arith.constant 0 : i32
      %dma_start3A_55 = tpu.memref_slice %arg3[%mul3A_2, %dma_start3A_54] : memref<4096x16xf32, #tpu.memory_space<hbm>> -> memref<128x16xf32, #tpu.memory_space<hbm>>
      tpu.enqueue_dma source(%arg6 : memref<128x16xf32, #tpu.memory_space<vmem>>) target(%dma_start3A_55 : memref<128x16xf32, #tpu.memory_space<hbm>>) target_semaphore(%run_scoped3A : memref<!tpu.dma_semaphore, #tpu.memory_space<semaphore_mem>>)
      %dma_wait3A = arith.constant 0 : i32
      %dma_wait3A_56 = tpu.memref_slice %arg3[%mul3A_2, %dma_wait3A] : memref<4096x16xf32, #tpu.memory_space<hbm>> -> memref<128x16xf32, #tpu.memory_space<hbm>>
      %dma_wait3A_57 = arith.constant 0 : i32
      %dma_wait3A_58 = tpu.memref_slice %arg3[%mul3A_2, %dma_wait3A_57] : memref<4096x16xf32, #tpu.memory_space<hbm>> -> memref<128x16xf32, #tpu.memory_space<hbm>>
      tpu.wait_dma2 semaphore(%run_scoped3A : memref<!tpu.dma_semaphore, #tpu.memory_space<semaphore_mem>>) src(%arg6 : memref<128x16xf32, #tpu.memory_space<vmem>>) dst(%dma_wait3A_58 : memref<128x16xf32, #tpu.memory_space<hbm>>)
      tpu.yield
    }) : () -> ()
    "tpu.region"() ({
      %run_scoped3A = tpu.sem_alloc : memref<!tpu.dma_semaphore, #tpu.memory_space<semaphore_mem>>
      %dma_start3A = arith.constant 0 : i32
      %dma_start3A_53 = tpu.memref_slice %arg4[%mul3A_2, %dma_start3A] : memref<4096x2xi32, #tpu.memory_space<hbm>> -> memref<128x2xi32, #tpu.memory_space<hbm>>
      %dma_start3A_54 = arith.constant 0 : i32
      %dma_start3A_55 = tpu.memref_slice %arg4[%mul3A_2, %dma_start3A_54] : memref<4096x2xi32, #tpu.memory_space<hbm>> -> memref<128x2xi32, #tpu.memory_space<hbm>>
      tpu.enqueue_dma source(%arg7 : memref<128x2xi32, #tpu.memory_space<vmem>>) target(%dma_start3A_55 : memref<128x2xi32, #tpu.memory_space<hbm>>) target_semaphore(%run_scoped3A : memref<!tpu.dma_semaphore, #tpu.memory_space<semaphore_mem>>)
      %dma_wait3A = arith.constant 0 : i32
      %dma_wait3A_56 = tpu.memref_slice %arg4[%mul3A_2, %dma_wait3A] : memref<4096x2xi32, #tpu.memory_space<hbm>> -> memref<128x2xi32, #tpu.memory_space<hbm>>
      %dma_wait3A_57 = arith.constant 0 : i32
      %dma_wait3A_58 = tpu.memref_slice %arg4[%mul3A_2, %dma_wait3A_57] : memref<4096x2xi32, #tpu.memory_space<hbm>> -> memref<128x2xi32, #tpu.memory_space<hbm>>
      tpu.wait_dma2 semaphore(%run_scoped3A : memref<!tpu.dma_semaphore, #tpu.memory_space<semaphore_mem>>) src(%arg7 : memref<128x2xi32, #tpu.memory_space<vmem>>) dst(%dma_wait3A_58 : memref<128x2xi32, #tpu.memory_space<hbm>>)
      tpu.yield
    }) : () -> ()
    return
  }
}

module attributes {stable_mosaic.version = 14 : i64} {
  func.func @_tc_body(%arg0: i32, %arg1: memref<1024x2048xf32, #tpu.memory_space<vmem>>, %arg2: memref<16x2048xf32, #tpu.memory_space<vmem>>, %arg3: memref<16x2048xf32, #tpu.memory_space<vmem>>, %arg4: memref<1x16xf32, #tpu.memory_space<vmem>>, %arg5: memref<1x16xf32, #tpu.memory_space<vmem>>, %arg6: memref<4x16x256xf32, #tpu.memory_space<vmem>>, %arg7: memref<4x16x256xf32, #tpu.memory_space<vmem>>) attributes {dimension_semantics = [#tpu.dimension_semantics<parallel>], iteration_bounds = array<i64: 4>, scalar_prefetch = 0 : i64, scratch_operands = 0 : i64, tpu.core_type = #tpu.core_type<tc>, window_params = [{transform_indices = @transform_0, window_bounds = array<i64: 1024, 2048>}, {pipeline_mode = #tpu.pipeline_mode<synchronous>, transform_indices = @transform_1, window_bounds = array<i64: 16, 2048>}, {pipeline_mode = #tpu.pipeline_mode<synchronous>, transform_indices = @transform_2, window_bounds = array<i64: 16, 2048>}, {pipeline_mode = #tpu.pipeline_mode<synchronous>, transform_indices = @transform_3, window_bounds = array<i64: 1, 16>}, {pipeline_mode = #tpu.pipeline_mode<synchronous>, transform_indices = @transform_4, window_bounds = array<i64: 1, 16>}, {transform_indices = @transform_5, window_bounds = array<i64: 4, 16, 256>}, {transform_indices = @transform_6, window_bounds = array<i64: 4, 16, 256>}]} {
    %get3A = arith.constant 0 : index
    %get3A_0 = arith.constant 0 : index
    %get3A_1 = vector.load %arg2[%get3A, %get3A_0] : memref<16x2048xf32, #tpu.memory_space<vmem>>, vector<16x2048xf32>
    %get3A_2 = arith.constant 0 : index
    %get3A_3 = arith.constant 0 : index
    %get3A_4 = vector.load %arg3[%get3A_2, %get3A_3] : memref<16x2048xf32, #tpu.memory_space<vmem>>, vector<16x2048xf32>
    %concatenate3A = tpu.concatenate %get3A_1, %get3A_4 in 0 : vector<16x2048xf32>, vector<16x2048xf32> -> vector<32x2048xf32>
    %convert_element_type3A = arith.truncf %concatenate3A : vector<32x2048xf32> to vector<32x2048xbf16>
    %get3A_5 = arith.constant 0 : index
    %get3A_6 = arith.constant 0 : index
    %get3A_7 = vector.load %arg1[%get3A_5, %get3A_6] : memref<1024x2048xf32, #tpu.memory_space<vmem>>, vector<1024x2048xf32>
    %convert_element_type3A_8 = arith.truncf %get3A_7 : vector<1024x2048xf32> to vector<1024x2048xbf16>
    %dot_general3A = arith.constant dense<0.000000e+00> : vector<32x1024xf32>
    %dot_general3A_9 = tpu.matmul %convert_element_type3A, %convert_element_type3A_8, %dot_general3A {dimension_numbers = #tpu.dot_dimension_numbers<[1], [1], [0], [0], [0, 0, 1, 0], [], []>, transpose_lhs_hint = false} : vector<32x2048xbf16>, vector<1024x2048xbf16>, vector<32x1024xf32> -> vector<32x1024xf32>
    %slice3A = vector.extract_strided_slice %dot_general3A_9 {offsets = [0, 0], sizes = [16, 1024], strides = [1, 1]} : vector<32x1024xf32> to vector<16x1024xf32>
    %get3A_10 = arith.constant 0 : index
    %get3A_11 = arith.constant 0 : index
    %get3A_12 = vector.load %arg4[%get3A_10, %get3A_11] : memref<1x16xf32, #tpu.memory_space<vmem>>, vector<1x16xf32>
    %reshape3A = vector.shape_cast %get3A_12 : vector<1x16xf32> to vector<16x1xf32>
    %add3A = vector.broadcast %reshape3A : vector<16x1xf32> to vector<16x1024xf32>
    %add3A_13 = arith.addf %slice3A, %add3A : vector<16x1024xf32>
    %slice3A_14 = vector.extract_strided_slice %dot_general3A_9 {offsets = [16, 0], sizes = [16, 1024], strides = [1, 1]} : vector<32x1024xf32> to vector<16x1024xf32>
    %get3A_15 = arith.constant 0 : index
    %get3A_16 = arith.constant 0 : index
    %get3A_17 = vector.load %arg5[%get3A_15, %get3A_16] : memref<1x16xf32, #tpu.memory_space<vmem>>, vector<1x16xf32>
    %reshape3A_18 = vector.shape_cast %get3A_17 : vector<1x16xf32> to vector<16x1xf32>
    %add3A_19 = vector.broadcast %reshape3A_18 : vector<16x1xf32> to vector<16x1024xf32>
    %add3A_20 = arith.addf %slice3A_14, %add3A_19 : vector<16x1024xf32>
    %slice3A_21 = vector.extract_strided_slice %add3A_13 {offsets = [0, 0], sizes = [16, 256], strides = [1, 1]} : vector<16x1024xf32> to vector<16x256xf32>
    %get3A_22 = arith.constant 0 : index
    %get3A_23 = arith.constant 0 : index
    %get3A_24 = arith.constant 0 : index
    %get3A_25 = vector.load %arg6[%get3A_22, %get3A_23, %get3A_24] : memref<4x16x256xf32, #tpu.memory_space<vmem>>, vector<1x16x256xf32>
    %get3A_26 = vector.shape_cast %get3A_25 : vector<1x16x256xf32> to vector<16x256xf32>
    %slice3A_27 = vector.extract_strided_slice %add3A_20 {offsets = [0, 0], sizes = [16, 256], strides = [1, 1]} : vector<16x1024xf32> to vector<16x256xf32>
    %custom_jvp_call3A = arith.constant 0.000000e+00 : f32
    %max3A = vector.broadcast %custom_jvp_call3A : f32 to vector<16x256xf32>
    %max3A_28 = arith.maximumf %slice3A_27, %max3A : vector<16x256xf32>
    %sub3A = vector.broadcast %custom_jvp_call3A : f32 to vector<16x256xf32>
    %sub3A_29 = arith.subf %slice3A_27, %sub3A : vector<16x256xf32>
    %ne3A = arith.cmpf one, %sub3A_29, %sub3A_29 : vector<16x256xf32>
    %add3A_30 = vector.broadcast %custom_jvp_call3A : f32 to vector<16x256xf32>
    %add3A_31 = arith.addf %slice3A_27, %add3A_30 : vector<16x256xf32>
    %abs3A = math.absf %sub3A_29 : vector<16x256xf32>
    %neg3A = arith.constant 0.000000e+00 : f32
    %neg3A_32 = vector.broadcast %neg3A : f32 to vector<16x256xf32>
    %neg3A_33 = arith.subf %neg3A_32, %abs3A : vector<16x256xf32>
    %exp3A = math.exp %neg3A_33 : vector<16x256xf32>
    %log1p3A = math.log1p %exp3A : vector<16x256xf32>
    %add3A_34 = arith.addf %max3A_28, %log1p3A : vector<16x256xf32>
    %select_n3A = arith.select %ne3A, %add3A_31, %add3A_34 : vector<16x256xi1>, vector<16x256xf32>
    %mul3A = arith.mulf %get3A_26, %select_n3A : vector<16x256xf32>
    %add3A_35 = arith.addf %slice3A_21, %mul3A : vector<16x256xf32>
    %swap3A = arith.constant 0 : index
    %swap3A_36 = arith.constant 0 : index
    %swap3A_37 = arith.constant 0 : index
    %swap3A_38 = vector.load %arg7[%swap3A, %swap3A_36, %swap3A_37] : memref<4x16x256xf32, #tpu.memory_space<vmem>>, vector<1x16x256xf32>
    %swap3A_39 = vector.shape_cast %swap3A_38 : vector<1x16x256xf32> to vector<16x256xf32>
    %swap3A_40 = vector.shape_cast %add3A_35 : vector<16x256xf32> to vector<1x16x256xf32>
    tpu.vector_store %arg7[%swap3A, %swap3A_36, %swap3A_37], %swap3A_40 {strides = array<i32>} : memref<4x16x256xf32, #tpu.memory_space<vmem>>, vector<1x16x256xf32>,
    %slice3A_41 = vector.extract_strided_slice %add3A_13 {offsets = [0, 256], sizes = [16, 256], strides = [1, 1]} : vector<16x1024xf32> to vector<16x256xf32>
    %get3A_42 = arith.constant 1 : index
    %get3A_43 = arith.constant 0 : index
    %get3A_44 = arith.constant 0 : index
    %get3A_45 = vector.load %arg6[%get3A_42, %get3A_43, %get3A_44] : memref<4x16x256xf32, #tpu.memory_space<vmem>>, vector<1x16x256xf32>
    %get3A_46 = vector.shape_cast %get3A_45 : vector<1x16x256xf32> to vector<16x256xf32>
    %slice3A_47 = vector.extract_strided_slice %add3A_20 {offsets = [0, 256], sizes = [16, 256], strides = [1, 1]} : vector<16x1024xf32> to vector<16x256xf32>
    %custom_jvp_call3A_48 = arith.constant 0.000000e+00 : f32
    %max3A_49 = vector.broadcast %custom_jvp_call3A_48 : f32 to vector<16x256xf32>
    %max3A_50 = arith.maximumf %slice3A_47, %max3A_49 : vector<16x256xf32>
    %sub3A_51 = vector.broadcast %custom_jvp_call3A_48 : f32 to vector<16x256xf32>
    %sub3A_52 = arith.subf %slice3A_47, %sub3A_51 : vector<16x256xf32>
    %ne3A_53 = arith.cmpf one, %sub3A_52, %sub3A_52 : vector<16x256xf32>
    %add3A_54 = vector.broadcast %custom_jvp_call3A_48 : f32 to vector<16x256xf32>
    %add3A_55 = arith.addf %slice3A_47, %add3A_54 : vector<16x256xf32>
    %abs3A_56 = math.absf %sub3A_52 : vector<16x256xf32>
    %neg3A_57 = arith.constant 0.000000e+00 : f32
    %neg3A_58 = vector.broadcast %neg3A_57 : f32 to vector<16x256xf32>
    %neg3A_59 = arith.subf %neg3A_58, %abs3A_56 : vector<16x256xf32>
    %exp3A_60 = math.exp %neg3A_59 : vector<16x256xf32>
    %log1p3A_61 = math.log1p %exp3A_60 : vector<16x256xf32>
    %add3A_62 = arith.addf %max3A_50, %log1p3A_61 : vector<16x256xf32>
    %select_n3A_63 = arith.select %ne3A_53, %add3A_55, %add3A_62 : vector<16x256xi1>, vector<16x256xf32>
    %mul3A_64 = arith.mulf %get3A_46, %select_n3A_63 : vector<16x256xf32>
    %add3A_65 = arith.addf %slice3A_41, %mul3A_64 : vector<16x256xf32>
    %swap3A_66 = arith.constant 1 : index
    %swap3A_67 = arith.constant 0 : index
    %swap3A_68 = arith.constant 0 : index
    %swap3A_69 = vector.load %arg7[%swap3A_66, %swap3A_67, %swap3A_68] : memref<4x16x256xf32, #tpu.memory_space<vmem>>, vector<1x16x256xf32>
    %swap3A_70 = vector.shape_cast %swap3A_69 : vector<1x16x256xf32> to vector<16x256xf32>
    %swap3A_71 = vector.shape_cast %add3A_65 : vector<16x256xf32> to vector<1x16x256xf32>
    tpu.vector_store %arg7[%swap3A_66, %swap3A_67, %swap3A_68], %swap3A_71 {strides = array<i32>} : memref<4x16x256xf32, #tpu.memory_space<vmem>>, vector<1x16x256xf32>,
    %slice3A_72 = vector.extract_strided_slice %add3A_13 {offsets = [0, 512], sizes = [16, 256], strides = [1, 1]} : vector<16x1024xf32> to vector<16x256xf32>
    %get3A_73 = arith.constant 2 : index
    %get3A_74 = arith.constant 0 : index
    %get3A_75 = arith.constant 0 : index
    %get3A_76 = vector.load %arg6[%get3A_73, %get3A_74, %get3A_75] : memref<4x16x256xf32, #tpu.memory_space<vmem>>, vector<1x16x256xf32>
    %get3A_77 = vector.shape_cast %get3A_76 : vector<1x16x256xf32> to vector<16x256xf32>
    %slice3A_78 = vector.extract_strided_slice %add3A_20 {offsets = [0, 512], sizes = [16, 256], strides = [1, 1]} : vector<16x1024xf32> to vector<16x256xf32>
    %custom_jvp_call3A_79 = arith.constant 0.000000e+00 : f32
    %max3A_80 = vector.broadcast %custom_jvp_call3A_79 : f32 to vector<16x256xf32>
    %max3A_81 = arith.maximumf %slice3A_78, %max3A_80 : vector<16x256xf32>
    %sub3A_82 = vector.broadcast %custom_jvp_call3A_79 : f32 to vector<16x256xf32>
    %sub3A_83 = arith.subf %slice3A_78, %sub3A_82 : vector<16x256xf32>
    %ne3A_84 = arith.cmpf one, %sub3A_83, %sub3A_83 : vector<16x256xf32>
    %add3A_85 = vector.broadcast %custom_jvp_call3A_79 : f32 to vector<16x256xf32>
    %add3A_86 = arith.addf %slice3A_78, %add3A_85 : vector<16x256xf32>
    %abs3A_87 = math.absf %sub3A_83 : vector<16x256xf32>
    %neg3A_88 = arith.constant 0.000000e+00 : f32
    %neg3A_89 = vector.broadcast %neg3A_88 : f32 to vector<16x256xf32>
    %neg3A_90 = arith.subf %neg3A_89, %abs3A_87 : vector<16x256xf32>
    %exp3A_91 = math.exp %neg3A_90 : vector<16x256xf32>
    %log1p3A_92 = math.log1p %exp3A_91 : vector<16x256xf32>
    %add3A_93 = arith.addf %max3A_81, %log1p3A_92 : vector<16x256xf32>
    %select_n3A_94 = arith.select %ne3A_84, %add3A_86, %add3A_93 : vector<16x256xi1>, vector<16x256xf32>
    %mul3A_95 = arith.mulf %get3A_77, %select_n3A_94 : vector<16x256xf32>
    %add3A_96 = arith.addf %slice3A_72, %mul3A_95 : vector<16x256xf32>
    %swap3A_97 = arith.constant 2 : index
    %swap3A_98 = arith.constant 0 : index
    %swap3A_99 = arith.constant 0 : index
    %swap3A_100 = vector.load %arg7[%swap3A_97, %swap3A_98, %swap3A_99] : memref<4x16x256xf32, #tpu.memory_space<vmem>>, vector<1x16x256xf32>
    %swap3A_101 = vector.shape_cast %swap3A_100 : vector<1x16x256xf32> to vector<16x256xf32>
    %swap3A_102 = vector.shape_cast %add3A_96 : vector<16x256xf32> to vector<1x16x256xf32>
    tpu.vector_store %arg7[%swap3A_97, %swap3A_98, %swap3A_99], %swap3A_102 {strides = array<i32>} : memref<4x16x256xf32, #tpu.memory_space<vmem>>, vector<1x16x256xf32>,
    %slice3A_103 = vector.extract_strided_slice %add3A_13 {offsets = [0, 768], sizes = [16, 256], strides = [1, 1]} : vector<16x1024xf32> to vector<16x256xf32>
    %get3A_104 = arith.constant 3 : index
    %get3A_105 = arith.constant 0 : index
    %get3A_106 = arith.constant 0 : index
    %get3A_107 = vector.load %arg6[%get3A_104, %get3A_105, %get3A_106] : memref<4x16x256xf32, #tpu.memory_space<vmem>>, vector<1x16x256xf32>
    %get3A_108 = vector.shape_cast %get3A_107 : vector<1x16x256xf32> to vector<16x256xf32>
    %slice3A_109 = vector.extract_strided_slice %add3A_20 {offsets = [0, 768], sizes = [16, 256], strides = [1, 1]} : vector<16x1024xf32> to vector<16x256xf32>
    %custom_jvp_call3A_110 = arith.constant 0.000000e+00 : f32
    %max3A_111 = vector.broadcast %custom_jvp_call3A_110 : f32 to vector<16x256xf32>
    %max3A_112 = arith.maximumf %slice3A_109, %max3A_111 : vector<16x256xf32>
    %sub3A_113 = vector.broadcast %custom_jvp_call3A_110 : f32 to vector<16x256xf32>
    %sub3A_114 = arith.subf %slice3A_109, %sub3A_113 : vector<16x256xf32>
    %ne3A_115 = arith.cmpf one, %sub3A_114, %sub3A_114 : vector<16x256xf32>
    %add3A_116 = vector.broadcast %custom_jvp_call3A_110 : f32 to vector<16x256xf32>
    %add3A_117 = arith.addf %slice3A_109, %add3A_116 : vector<16x256xf32>
    %abs3A_118 = math.absf %sub3A_114 : vector<16x256xf32>
    %neg3A_119 = arith.constant 0.000000e+00 : f32
    %neg3A_120 = vector.broadcast %neg3A_119 : f32 to vector<16x256xf32>
    %neg3A_121 = arith.subf %neg3A_120, %abs3A_118 : vector<16x256xf32>
    %exp3A_122 = math.exp %neg3A_121 : vector<16x256xf32>
    %log1p3A_123 = math.log1p %exp3A_122 : vector<16x256xf32>
    %add3A_124 = arith.addf %max3A_112, %log1p3A_123 : vector<16x256xf32>
    %select_n3A_125 = arith.select %ne3A_115, %add3A_117, %add3A_124 : vector<16x256xi1>, vector<16x256xf32>
    %mul3A_126 = arith.mulf %get3A_108, %select_n3A_125 : vector<16x256xf32>
    %add3A_127 = arith.addf %slice3A_103, %mul3A_126 : vector<16x256xf32>
    %swap3A_128 = arith.constant 3 : index
    %swap3A_129 = arith.constant 0 : index
    %swap3A_130 = arith.constant 0 : index
    %swap3A_131 = vector.load %arg7[%swap3A_128, %swap3A_129, %swap3A_130] : memref<4x16x256xf32, #tpu.memory_space<vmem>>, vector<1x16x256xf32>
    %swap3A_132 = vector.shape_cast %swap3A_131 : vector<1x16x256xf32> to vector<16x256xf32>
    %swap3A_133 = vector.shape_cast %add3A_127 : vector<16x256xf32> to vector<1x16x256xf32>
    tpu.vector_store %arg7[%swap3A_128, %swap3A_129, %swap3A_130], %swap3A_133 {strides = array<i32>} : memref<4x16x256xf32, #tpu.memory_space<vmem>>, vector<1x16x256xf32>,
    return
  }
  func.func @transform_0(%arg0: i32) -> (i32, i32) {
    %add3A = arith.constant 4 : i32
    %add3A_0 = arith.addi %arg0, %add3A : i32
    %c0_i32 = arith.constant 0 : i32
    %c0_i32_1 = arith.constant 0 : i32
    return %add3A_0, %c0_i32 : i32, i32
  }
  func.func @transform_1(%arg0: i32) -> (i32, i32) {
    %c0_i32 = arith.constant 0 : i32
    %c0_i32_0 = arith.constant 0 : i32
    %c0_i32_1 = arith.constant 0 : i32
    return %c0_i32, %c0_i32_0 : i32, i32
  }
  func.func @transform_2(%arg0: i32) -> (i32, i32) {
    %c0_i32 = arith.constant 0 : i32
    %c0_i32_0 = arith.constant 0 : i32
    %c0_i32_1 = arith.constant 0 : i32
    return %c0_i32, %c0_i32_0 : i32, i32
  }
  func.func @transform_3(%arg0: i32) -> (i32, i32) {
    %c0_i32 = arith.constant 0 : i32
    %c0_i32_0 = arith.constant 0 : i32
    %c0_i32_1 = arith.constant 0 : i32
    return %c0_i32, %c0_i32_0 : i32, i32
  }
  func.func @transform_4(%arg0: i32) -> (i32, i32) {
    %c0_i32 = arith.constant 0 : i32
    %c0_i32_0 = arith.constant 0 : i32
    %c0_i32_1 = arith.constant 0 : i32
    return %c0_i32, %c0_i32_0 : i32, i32
  }
  func.func @transform_5(%arg0: i32) -> (i32, i32, i32) {
    %c0_i32 = arith.constant 0 : i32
    %c0_i32_0 = arith.constant 0 : i32
    %c0_i32_1 = arith.constant 0 : i32
    return %arg0, %c0_i32, %c0_i32_0 : i32, i32, i32
  }
  func.func @transform_6(%arg0: i32) -> (i32, i32, i32) {
    %c0_i32 = arith.constant 0 : i32
    %c0_i32_0 = arith.constant 0 : i32
    %c0_i32_1 = arith.constant 0 : i32
    return %arg0, %c0_i32, %c0_i32_0 : i32, i32, i32
  }
}

module attributes {stable_mosaic.version = 14 : i64} {
  func.func @_tc_body(%arg0: i32, %arg1: memref<1024x2048xf32, #tpu.memory_space<vmem>>, %arg2: memref<16x2048xf32, #tpu.memory_space<vmem>>, %arg3: memref<16x2048xf32, #tpu.memory_space<vmem>>, %arg4: memref<1x16xf32, #tpu.memory_space<vmem>>, %arg5: memref<1x16xf32, #tpu.memory_space<vmem>>, %arg6: memref<4x16x256xf32, #tpu.memory_space<vmem>>, %arg7: memref<4x16x256xf32, #tpu.memory_space<vmem>>) attributes {dimension_semantics = [#tpu.dimension_semantics<parallel>], iteration_bounds = array<i64: 4>, scalar_prefetch = 0 : i64, scratch_operands = 0 : i64, tpu.core_type = #tpu.core_type<tc>, window_params = [{transform_indices = @transform_0, window_bounds = array<i64: 1024, 2048>}, {pipeline_mode = #tpu.pipeline_mode<synchronous>, transform_indices = @transform_1, window_bounds = array<i64: 16, 2048>}, {pipeline_mode = #tpu.pipeline_mode<synchronous>, transform_indices = @transform_2, window_bounds = array<i64: 16, 2048>}, {pipeline_mode = #tpu.pipeline_mode<synchronous>, transform_indices = @transform_3, window_bounds = array<i64: 1, 16>}, {pipeline_mode = #tpu.pipeline_mode<synchronous>, transform_indices = @transform_4, window_bounds = array<i64: 1, 16>}, {transform_indices = @transform_5, window_bounds = array<i64: 4, 16, 256>}, {transform_indices = @transform_6, window_bounds = array<i64: 4, 16, 256>}]} {
    %get3A = arith.constant 0 : index
    %get3A_0 = arith.constant 0 : index
    %get3A_1 = vector.load %arg2[%get3A, %get3A_0] : memref<16x2048xf32, #tpu.memory_space<vmem>>, vector<16x2048xf32>
    %get3A_2 = arith.constant 0 : index
    %get3A_3 = arith.constant 0 : index
    %get3A_4 = vector.load %arg3[%get3A_2, %get3A_3] : memref<16x2048xf32, #tpu.memory_space<vmem>>, vector<16x2048xf32>
    %concatenate3A = tpu.concatenate %get3A_1, %get3A_4 in 0 : vector<16x2048xf32>, vector<16x2048xf32> -> vector<32x2048xf32>
    %convert_element_type3A = arith.truncf %concatenate3A : vector<32x2048xf32> to vector<32x2048xbf16>
    %get3A_5 = arith.constant 0 : index
    %get3A_6 = arith.constant 0 : index
    %get3A_7 = vector.load %arg1[%get3A_5, %get3A_6] : memref<1024x2048xf32, #tpu.memory_space<vmem>>, vector<1024x2048xf32>
    %convert_element_type3A_8 = arith.truncf %get3A_7 : vector<1024x2048xf32> to vector<1024x2048xbf16>
    %dot_general3A = arith.constant dense<0.000000e+00> : vector<32x1024xf32>
    %dot_general3A_9 = tpu.matmul %convert_element_type3A, %convert_element_type3A_8, %dot_general3A {dimension_numbers = #tpu.dot_dimension_numbers<[1], [1], [0], [0], [0, 0, 1, 0], [], []>, transpose_lhs_hint = false} : vector<32x2048xbf16>, vector<1024x2048xbf16>, vector<32x1024xf32> -> vector<32x1024xf32>
    %slice3A = vector.extract_strided_slice %dot_general3A_9 {offsets = [0, 0], sizes = [16, 1024], strides = [1, 1]} : vector<32x1024xf32> to vector<16x1024xf32>
    %get3A_10 = arith.constant 0 : index
    %get3A_11 = arith.constant 0 : index
    %get3A_12 = vector.load %arg4[%get3A_10, %get3A_11] : memref<1x16xf32, #tpu.memory_space<vmem>>, vector<1x16xf32>
    %reshape3A = vector.shape_cast %get3A_12 : vector<1x16xf32> to vector<16x1xf32>
    %add3A = vector.broadcast %reshape3A : vector<16x1xf32> to vector<16x1024xf32>
    %add3A_13 = arith.addf %slice3A, %add3A : vector<16x1024xf32>
    %slice3A_14 = vector.extract_strided_slice %dot_general3A_9 {offsets = [16, 0], sizes = [16, 1024], strides = [1, 1]} : vector<32x1024xf32> to vector<16x1024xf32>
    %get3A_15 = arith.constant 0 : index
    %get3A_16 = arith.constant 0 : index
    %get3A_17 = vector.load %arg5[%get3A_15, %get3A_16] : memref<1x16xf32, #tpu.memory_space<vmem>>, vector<1x16xf32>
    %reshape3A_18 = vector.shape_cast %get3A_17 : vector<1x16xf32> to vector<16x1xf32>
    %add3A_19 = vector.broadcast %reshape3A_18 : vector<16x1xf32> to vector<16x1024xf32>
    %add3A_20 = arith.addf %slice3A_14, %add3A_19 : vector<16x1024xf32>
    %slice3A_21 = vector.extract_strided_slice %add3A_13 {offsets = [0, 0], sizes = [16, 256], strides = [1, 1]} : vector<16x1024xf32> to vector<16x256xf32>
    %get3A_22 = arith.constant 0 : index
    %get3A_23 = arith.constant 0 : index
    %get3A_24 = arith.constant 0 : index
    %get3A_25 = vector.load %arg6[%get3A_22, %get3A_23, %get3A_24] : memref<4x16x256xf32, #tpu.memory_space<vmem>>, vector<1x16x256xf32>
    %get3A_26 = vector.shape_cast %get3A_25 : vector<1x16x256xf32> to vector<16x256xf32>
    %slice3A_27 = vector.extract_strided_slice %add3A_20 {offsets = [0, 0], sizes = [16, 256], strides = [1, 1]} : vector<16x1024xf32> to vector<16x256xf32>
    %custom_jvp_call3A = arith.constant 0.000000e+00 : f32
    %max3A = vector.broadcast %custom_jvp_call3A : f32 to vector<16x256xf32>
    %max3A_28 = arith.maximumf %slice3A_27, %max3A : vector<16x256xf32>
    %sub3A = vector.broadcast %custom_jvp_call3A : f32 to vector<16x256xf32>
    %sub3A_29 = arith.subf %slice3A_27, %sub3A : vector<16x256xf32>
    %ne3A = arith.cmpf one, %sub3A_29, %sub3A_29 : vector<16x256xf32>
    %add3A_30 = vector.broadcast %custom_jvp_call3A : f32 to vector<16x256xf32>
    %add3A_31 = arith.addf %slice3A_27, %add3A_30 : vector<16x256xf32>
    %abs3A = math.absf %sub3A_29 : vector<16x256xf32>
    %neg3A = arith.constant 0.000000e+00 : f32
    %neg3A_32 = vector.broadcast %neg3A : f32 to vector<16x256xf32>
    %neg3A_33 = arith.subf %neg3A_32, %abs3A : vector<16x256xf32>
    %exp3A = math.exp %neg3A_33 : vector<16x256xf32>
    %log1p3A = math.log1p %exp3A : vector<16x256xf32>
    %add3A_34 = arith.addf %max3A_28, %log1p3A : vector<16x256xf32>
    %select_n3A = arith.select %ne3A, %add3A_31, %add3A_34 : vector<16x256xi1>, vector<16x256xf32>
    %mul3A = arith.mulf %get3A_26, %select_n3A : vector<16x256xf32>
    %add3A_35 = arith.addf %slice3A_21, %mul3A : vector<16x256xf32>
    %swap3A = arith.constant 0 : index
    %swap3A_36 = arith.constant 0 : index
    %swap3A_37 = arith.constant 0 : index
    %swap3A_38 = vector.load %arg7[%swap3A, %swap3A_36, %swap3A_37] : memref<4x16x256xf32, #tpu.memory_space<vmem>>, vector<1x16x256xf32>
    %swap3A_39 = vector.shape_cast %swap3A_38 : vector<1x16x256xf32> to vector<16x256xf32>
    %swap3A_40 = vector.shape_cast %add3A_35 : vector<16x256xf32> to vector<1x16x256xf32>
    tpu.vector_store %arg7[%swap3A, %swap3A_36, %swap3A_37], %swap3A_40 {strides = array<i32>} : memref<4x16x256xf32, #tpu.memory_space<vmem>>, vector<1x16x256xf32>,
    %slice3A_41 = vector.extract_strided_slice %add3A_13 {offsets = [0, 256], sizes = [16, 256], strides = [1, 1]} : vector<16x1024xf32> to vector<16x256xf32>
    %get3A_42 = arith.constant 1 : index
    %get3A_43 = arith.constant 0 : index
    %get3A_44 = arith.constant 0 : index
    %get3A_45 = vector.load %arg6[%get3A_42, %get3A_43, %get3A_44] : memref<4x16x256xf32, #tpu.memory_space<vmem>>, vector<1x16x256xf32>
    %get3A_46 = vector.shape_cast %get3A_45 : vector<1x16x256xf32> to vector<16x256xf32>
    %slice3A_47 = vector.extract_strided_slice %add3A_20 {offsets = [0, 256], sizes = [16, 256], strides = [1, 1]} : vector<16x1024xf32> to vector<16x256xf32>
    %custom_jvp_call3A_48 = arith.constant 0.000000e+00 : f32
    %max3A_49 = vector.broadcast %custom_jvp_call3A_48 : f32 to vector<16x256xf32>
    %max3A_50 = arith.maximumf %slice3A_47, %max3A_49 : vector<16x256xf32>
    %sub3A_51 = vector.broadcast %custom_jvp_call3A_48 : f32 to vector<16x256xf32>
    %sub3A_52 = arith.subf %slice3A_47, %sub3A_51 : vector<16x256xf32>
    %ne3A_53 = arith.cmpf one, %sub3A_52, %sub3A_52 : vector<16x256xf32>
    %add3A_54 = vector.broadcast %custom_jvp_call3A_48 : f32 to vector<16x256xf32>
    %add3A_55 = arith.addf %slice3A_47, %add3A_54 : vector<16x256xf32>
    %abs3A_56 = math.absf %sub3A_52 : vector<16x256xf32>
    %neg3A_57 = arith.constant 0.000000e+00 : f32
    %neg3A_58 = vector.broadcast %neg3A_57 : f32 to vector<16x256xf32>
    %neg3A_59 = arith.subf %neg3A_58, %abs3A_56 : vector<16x256xf32>
    %exp3A_60 = math.exp %neg3A_59 : vector<16x256xf32>
    %log1p3A_61 = math.log1p %exp3A_60 : vector<16x256xf32>
    %add3A_62 = arith.addf %max3A_50, %log1p3A_61 : vector<16x256xf32>
    %select_n3A_63 = arith.select %ne3A_53, %add3A_55, %add3A_62 : vector<16x256xi1>, vector<16x256xf32>
    %mul3A_64 = arith.mulf %get3A_46, %select_n3A_63 : vector<16x256xf32>
    %add3A_65 = arith.addf %slice3A_41, %mul3A_64 : vector<16x256xf32>
    %swap3A_66 = arith.constant 1 : index
    %swap3A_67 = arith.constant 0 : index
    %swap3A_68 = arith.constant 0 : index
    %swap3A_69 = vector.load %arg7[%swap3A_66, %swap3A_67, %swap3A_68] : memref<4x16x256xf32, #tpu.memory_space<vmem>>, vector<1x16x256xf32>
    %swap3A_70 = vector.shape_cast %swap3A_69 : vector<1x16x256xf32> to vector<16x256xf32>
    %swap3A_71 = vector.shape_cast %add3A_65 : vector<16x256xf32> to vector<1x16x256xf32>
    tpu.vector_store %arg7[%swap3A_66, %swap3A_67, %swap3A_68], %swap3A_71 {strides = array<i32>} : memref<4x16x256xf32, #tpu.memory_space<vmem>>, vector<1x16x256xf32>,
    %slice3A_72 = vector.extract_strided_slice %add3A_13 {offsets = [0, 512], sizes = [16, 256], strides = [1, 1]} : vector<16x1024xf32> to vector<16x256xf32>
    %get3A_73 = arith.constant 2 : index
    %get3A_74 = arith.constant 0 : index
    %get3A_75 = arith.constant 0 : index
    %get3A_76 = vector.load %arg6[%get3A_73, %get3A_74, %get3A_75] : memref<4x16x256xf32, #tpu.memory_space<vmem>>, vector<1x16x256xf32>
    %get3A_77 = vector.shape_cast %get3A_76 : vector<1x16x256xf32> to vector<16x256xf32>
    %slice3A_78 = vector.extract_strided_slice %add3A_20 {offsets = [0, 512], sizes = [16, 256], strides = [1, 1]} : vector<16x1024xf32> to vector<16x256xf32>
    %custom_jvp_call3A_79 = arith.constant 0.000000e+00 : f32
    %max3A_80 = vector.broadcast %custom_jvp_call3A_79 : f32 to vector<16x256xf32>
    %max3A_81 = arith.maximumf %slice3A_78, %max3A_80 : vector<16x256xf32>
    %sub3A_82 = vector.broadcast %custom_jvp_call3A_79 : f32 to vector<16x256xf32>
    %sub3A_83 = arith.subf %slice3A_78, %sub3A_82 : vector<16x256xf32>
    %ne3A_84 = arith.cmpf one, %sub3A_83, %sub3A_83 : vector<16x256xf32>
    %add3A_85 = vector.broadcast %custom_jvp_call3A_79 : f32 to vector<16x256xf32>
    %add3A_86 = arith.addf %slice3A_78, %add3A_85 : vector<16x256xf32>
    %abs3A_87 = math.absf %sub3A_83 : vector<16x256xf32>
    %neg3A_88 = arith.constant 0.000000e+00 : f32
    %neg3A_89 = vector.broadcast %neg3A_88 : f32 to vector<16x256xf32>
    %neg3A_90 = arith.subf %neg3A_89, %abs3A_87 : vector<16x256xf32>
    %exp3A_91 = math.exp %neg3A_90 : vector<16x256xf32>
    %log1p3A_92 = math.log1p %exp3A_91 : vector<16x256xf32>
    %add3A_93 = arith.addf %max3A_81, %log1p3A_92 : vector<16x256xf32>
    %select_n3A_94 = arith.select %ne3A_84, %add3A_86, %add3A_93 : vector<16x256xi1>, vector<16x256xf32>
    %mul3A_95 = arith.mulf %get3A_77, %select_n3A_94 : vector<16x256xf32>
    %add3A_96 = arith.addf %slice3A_72, %mul3A_95 : vector<16x256xf32>
    %swap3A_97 = arith.constant 2 : index
    %swap3A_98 = arith.constant 0 : index
    %swap3A_99 = arith.constant 0 : index
    %swap3A_100 = vector.load %arg7[%swap3A_97, %swap3A_98, %swap3A_99] : memref<4x16x256xf32, #tpu.memory_space<vmem>>, vector<1x16x256xf32>
    %swap3A_101 = vector.shape_cast %swap3A_100 : vector<1x16x256xf32> to vector<16x256xf32>
    %swap3A_102 = vector.shape_cast %add3A_96 : vector<16x256xf32> to vector<1x16x256xf32>
    tpu.vector_store %arg7[%swap3A_97, %swap3A_98, %swap3A_99], %swap3A_102 {strides = array<i32>} : memref<4x16x256xf32, #tpu.memory_space<vmem>>, vector<1x16x256xf32>,
    %slice3A_103 = vector.extract_strided_slice %add3A_13 {offsets = [0, 768], sizes = [16, 256], strides = [1, 1]} : vector<16x1024xf32> to vector<16x256xf32>
    %get3A_104 = arith.constant 3 : index
    %get3A_105 = arith.constant 0 : index
    %get3A_106 = arith.constant 0 : index
    %get3A_107 = vector.load %arg6[%get3A_104, %get3A_105, %get3A_106] : memref<4x16x256xf32, #tpu.memory_space<vmem>>, vector<1x16x256xf32>
    %get3A_108 = vector.shape_cast %get3A_107 : vector<1x16x256xf32> to vector<16x256xf32>
    %slice3A_109 = vector.extract_strided_slice %add3A_20 {offsets = [0, 768], sizes = [16, 256], strides = [1, 1]} : vector<16x1024xf32> to vector<16x256xf32>
    %custom_jvp_call3A_110 = arith.constant 0.000000e+00 : f32
    %max3A_111 = vector.broadcast %custom_jvp_call3A_110 : f32 to vector<16x256xf32>
    %max3A_112 = arith.maximumf %slice3A_109, %max3A_111 : vector<16x256xf32>
    %sub3A_113 = vector.broadcast %custom_jvp_call3A_110 : f32 to vector<16x256xf32>
    %sub3A_114 = arith.subf %slice3A_109, %sub3A_113 : vector<16x256xf32>
    %ne3A_115 = arith.cmpf one, %sub3A_114, %sub3A_114 : vector<16x256xf32>
    %add3A_116 = vector.broadcast %custom_jvp_call3A_110 : f32 to vector<16x256xf32>
    %add3A_117 = arith.addf %slice3A_109, %add3A_116 : vector<16x256xf32>
    %abs3A_118 = math.absf %sub3A_114 : vector<16x256xf32>
    %neg3A_119 = arith.constant 0.000000e+00 : f32
    %neg3A_120 = vector.broadcast %neg3A_119 : f32 to vector<16x256xf32>
    %neg3A_121 = arith.subf %neg3A_120, %abs3A_118 : vector<16x256xf32>
    %exp3A_122 = math.exp %neg3A_121 : vector<16x256xf32>
    %log1p3A_123 = math.log1p %exp3A_122 : vector<16x256xf32>
    %add3A_124 = arith.addf %max3A_112, %log1p3A_123 : vector<16x256xf32>
    %select_n3A_125 = arith.select %ne3A_115, %add3A_117, %add3A_124 : vector<16x256xi1>, vector<16x256xf32>
    %mul3A_126 = arith.mulf %get3A_108, %select_n3A_125 : vector<16x256xf32>
    %add3A_127 = arith.addf %slice3A_103, %mul3A_126 : vector<16x256xf32>
    %swap3A_128 = arith.constant 3 : index
    %swap3A_129 = arith.constant 0 : index
    %swap3A_130 = arith.constant 0 : index
    %swap3A_131 = vector.load %arg7[%swap3A_128, %swap3A_129, %swap3A_130] : memref<4x16x256xf32, #tpu.memory_space<vmem>>, vector<1x16x256xf32>
    %swap3A_132 = vector.shape_cast %swap3A_131 : vector<1x16x256xf32> to vector<16x256xf32>
    %swap3A_133 = vector.shape_cast %add3A_127 : vector<16x256xf32> to vector<1x16x256xf32>
    tpu.vector_store %arg7[%swap3A_128, %swap3A_129, %swap3A_130], %swap3A_133 {strides = array<i32>} : memref<4x16x256xf32, #tpu.memory_space<vmem>>, vector<1x16x256xf32>,
    return
  }
  func.func @transform_0(%arg0: i32) -> (i32, i32) {
    %add3A = arith.constant 0 : i32
    %add3A_0 = arith.addi %arg0, %add3A : i32
    %c0_i32 = arith.constant 0 : i32
    %c0_i32_1 = arith.constant 0 : i32
    return %add3A_0, %c0_i32 : i32, i32
  }
  func.func @transform_1(%arg0: i32) -> (i32, i32) {
    %c0_i32 = arith.constant 0 : i32
    %c0_i32_0 = arith.constant 0 : i32
    %c0_i32_1 = arith.constant 0 : i32
    return %c0_i32, %c0_i32_0 : i32, i32
  }
  func.func @transform_2(%arg0: i32) -> (i32, i32) {
    %c0_i32 = arith.constant 0 : i32
    %c0_i32_0 = arith.constant 0 : i32
    %c0_i32_1 = arith.constant 0 : i32
    return %c0_i32, %c0_i32_0 : i32, i32
  }
  func.func @transform_3(%arg0: i32) -> (i32, i32) {
    %c0_i32 = arith.constant 0 : i32
    %c0_i32_0 = arith.constant 0 : i32
    %c0_i32_1 = arith.constant 0 : i32
    return %c0_i32, %c0_i32_0 : i32, i32
  }
  func.func @transform_4(%arg0: i32) -> (i32, i32) {
    %c0_i32 = arith.constant 0 : i32
    %c0_i32_0 = arith.constant 0 : i32
    %c0_i32_1 = arith.constant 0 : i32
    return %c0_i32, %c0_i32_0 : i32, i32
  }
  func.func @transform_5(%arg0: i32) -> (i32, i32, i32) {
    %c0_i32 = arith.constant 0 : i32
    %c0_i32_0 = arith.constant 0 : i32
    %c0_i32_1 = arith.constant 0 : i32
    return %arg0, %c0_i32, %c0_i32_0 : i32, i32, i32
  }
  func.func @transform_6(%arg0: i32) -> (i32, i32, i32) {
    %c0_i32 = arith.constant 0 : i32
    %c0_i32_0 = arith.constant 0 : i32
    %c0_i32_1 = arith.constant 0 : i32
    return %arg0, %c0_i32, %c0_i32_0 : i32, i32, i32
  }
}

</mosaic_0001>

<sc_bundles>
// kernel: kernel.6.cloned.1.call-start
scs
__scs_entry_jumppad:
0x0: {  	(pc) =	sbr.rel $0x88, $3  }
0x1: {  	(tag) =	ssettag $0x0;
	lr =	simm.s32 $0x1  }
0x2: {  	[smem:$0x3F9C] =	sst lr;
	_ =	strace $0xD0000000  }
0x3: {  	_ = 	snop  }
0x4: {  	_ = 	snop  }
0x5: {  	_ = 	snop  }
0x6: {  	_ = 	snop  }
0x7: {  	_ = 	snop  }
__scs_overlays_trampoline_lowered:
0x8: {  	[smem:$0x3FAB] =	sst s0  }
0x9: {  	[smem:$0x3FAC] =	sst s1  }
0xa: {  	[smem:$0x3FAD] =	sst s2  }
0xb: {  	[smem:$0x3FAE] =	sst s3  }
0xc: {  	[smem:$0x3FAF] =	sst s4  }
0xd: {  	[smem:$0x3FB0] =	sst s5  }
0xe: {  	[smem:$0x3FB1] =	sst s6  }
0xf: {  	[smem:$0x3FB2] =	sst s7  }
0x10: {  	[smem:$0x3FB3] =	sst s8  }
0x11: {  	[smem:$0x3FB4] =	sst s9;
	s0 =	simm.s32 @!p0 $0x0  }
0x12: {  	s1 =	sld [smem:$0x3F9A];
	s0 =	simm.s32 @p0 $0x1  }
0x13: {  	[smem:$0x3FB5] =	sst s0;
	s0 =	simm.s32 @!p1 $0x0  }
0x14: {  	s2 =	sld [smem:$0x3F99];
	s0 =	simm.s32 @p1 $0x1  }
0x15: {  	[smem:$0x3FB6] =	sst s0;
	s0 =	simm.s32 @!p2 $0x0  }
0x16: {  	s3 =	sld [smem:$0x3FDB];
	s0 =	simm.s32 @p2 $0x1  }
0x17: {  	s4 =	simm.s32 $0x1BF5;
	[smem:$0x3FB8] =	sst s0  }
0x18: {  	s0 =	sld [smem:$0x3F9B];
	_ =	swait.ge [sflag:s4], $0x0  }
0x19: {  	s7 =	sld [smem:$0x3F9C]  }
0x1a: {  	s8 =	sadd.s32 $0xFFFFE003, lr  }
0x1b: {  	s9 =	sadd.s32 $0xFFFFFEF7, lr;
	s5 =	simm.s32 $0xFFFFFFFF;
	p2 =	slt.u32 s8, $0xFFFFF086  }
0x1c: {  	p1 =	slt.u32 s9, $0xF7A;
	s5 =	simm.s32 @!p2 $0x0  }
0x1d: {  	s5 =	simm.s32 @p1 $0x1;
	p0 =	seq.s32 s7, s2  }
0x1e: {  	s7 =	smul.u32 @!p0 $0xF7A, s2;
	p2 =	seq.s32 @!p0 s5, $0x0  }
0x1f: {  	s9 =	smul.u32 $0xF7A, s1;
	s8 =	simm.s32 @!p0 $0x1BF5;
	p2 =	por !p2, p0  }
0x20: {  	[sflag:s8] =	ssyncset.s32 @!p0 $0xFFFFF086;
	s6 =	sadd.s32 @!p0 s3, s7;
	s7 =	simm.s32 @!p0 $0x108  }
0x21: {  	s3 =	sadd.s32 s3, s9;
	s6 =	sadd.s32 @!p0 $0x88, s6;
	s7 =	simm.s32 @p2 $0x1082  }
0x22: {  	[simem:s7], [sflag:s8] =	dma.local @!p0 [hbm:s6], $0xF7A  }
0x23: {  	s9 =	sor.u32 $0xD0000000, s2;
	s6 =	simm.s32 $0x108;
	_ =	swait.ge @!p0 [sflag:s8], $0x0  }
0x24: {  	s3 =	sadd.s32 $0x88, s3;
	s6 =	simm.s32 @!p1 $0x1082;
	[sflag:s4] =	ssyncset.s32 $0xFFFFF086  }
0x25: {  	[simem:s6], [sflag:s4] =	dma.local [hbm:s3], $0xF7A  }
0x26: {  	[smem:$0x3F9C] =	sst s1;
	(tag) =	ssettag s2;
	_ =	strace s9  }
0x27: {  	s1 =	sld [smem:$0x3FAC]  }
0x28: {  	s2 =	sld [smem:$0x3FAD]  }
0x29: {  	s4 =	sld [smem:$0x3FAF]  }
0x2a: {  	p0 =	seq.s32 s5, $0x0;
	s5 =	sld [smem:$0x3FB0]  }
0x2b: {  	s6 =	sld [smem:$0x3FB1]  }
0x2c: {  	s7 =	sld [smem:$0x3FB2]  }
0x2d: {  	s3 =	simm.s32 $0x108;
	s8 =	sld [smem:$0x3FB3]  }
0x2e: {  	s3 =	simm.s32 @!p0 $0x1082;
	s9 =	sld [smem:$0x3FB4]  }
0x2f: {  	lr =	sadd.s32 s0, s3;
	s0 =	sld [smem:$0x3FAB]  }
0x30: {  	s3 =	sld [smem:$0x3FAE]  }
0x31: {  	[smem:$0x3FB7] =	sst s10  }
0x32: {  	s10 =	sld [smem:$0x3FB5];
	_ =	sdelay $0x3  }
0x33: {  	p0 =	seq.s32 s10, $0x1;
	s10 =	sld [smem:$0x3FB7];
	_ =	sdelay $0x3  }
0x34: {  	[smem:$0x3FB7] =	sst s10  }
0x35: {  	s10 =	sld [smem:$0x3FB6];
	_ =	sdelay $0x3  }
0x36: {  	p1 =	seq.s32 s10, $0x1;
	s10 =	sld [smem:$0x3FB7];
	_ =	sdelay $0x3  }
0x37: {  	[smem:$0x3FB7] =	sst s10  }
0x38: {  	s10 =	sld [smem:$0x3FB8]  }
0x39: {  	_ = 	snop;
	(pc) =	sbr.ind lr, $3  }
0x3a: {  	_ = 	snop  }
0x3b: {  	_ = 	snop  }
0x3c: {  	p2 =	seq.s32 s10, $0x1;
	s10 =	sld [smem:$0x3FB7]  }
0x3d: {  	_ =	shalt  }
0x3e: {  	_ =	shalt  }
0x3f: {  	_ =	shalt  }
0x40: {  	_ =	shalt  }
0x41: {  	_ =	shalt  }
0x42: {  	_ =	shalt  }
0x43: {  	_ =	shalt  }
0x44: {  	_ =	shalt  }
0x45: {  	_ =	shalt  }
0x46: {  	_ =	shalt  }
0x47: {  	_ =	shalt  }
0x48: {  	_ =	shalt  }
0x49: {  	_ =	shalt  }
0x4a: {  	_ =	shalt  }
0x4b: {  	_ =	shalt  }
0x4c: {  	_ =	shalt  }
0x4d: {  	_ =	shalt  }
0x4e: {  	_ =	shalt  }
0x4f: {  	_ =	shalt  }
0x50: {  	_ =	shalt  }
0x51: {  	_ =	shalt  }
0x52: {  	_ =	shalt  }
0x53: {  	_ =	shalt  }
0x54: {  	_ =	shalt  }
0x55: {  	_ =	shalt  }
0x56: {  	_ =	shalt  }
0x57: {  	_ =	shalt  }
0x58: {  	_ =	shalt  }
0x59: {  	_ =	shalt  }
0x5a: {  	_ =	shalt  }
0x5b: {  	_ =	shalt  }
0x5c: {  	_ =	shalt  }
0x5d: {  	_ =	shalt  }
0x5e: {  	_ =	shalt  }
0x5f: {  	_ =	shalt  }
0x60: {  	_ =	shalt  }
0x61: {  	_ =	shalt  }
0x62: {  	_ =	shalt  }
0x63: {  	_ =	shalt  }
0x64: {  	_ =	shalt  }
0x65: {  	_ =	shalt  }
0x66: {  	_ =	shalt  }
0x67: {  	_ =	shalt  }
0x68: {  	_ =	shalt  }
0x69: {  	_ =	shalt  }
0x6a: {  	_ =	shalt  }
0x6b: {  	_ =	shalt  }
0x6c: {  	_ =	shalt  }
0x6d: {  	_ =	shalt  }
0x6e: {  	_ =	shalt  }
0x6f: {  	_ =	shalt  }
0x70: {  	_ =	shalt  }
0x71: {  	_ =	shalt  }
0x72: {  	_ =	shalt  }
0x73: {  	_ =	shalt  }
0x74: {  	_ =	shalt  }
0x75: {  	_ =	shalt  }
0x76: {  	_ =	shalt  }
0x77: {  	_ =	shalt  }
0x78: {  	_ =	shalt  }
0x79: {  	_ =	shalt  }
0x7a: {  	_ =	shalt  }
0x7b: {  	_ =	shalt  }
0x7c: {  	_ =	shalt  }
0x7d: {  	_ =	shalt  }
0x7e: {  	_ =	shalt  }
0x7f: {  	_ =	shalt  }
0x80: {  	_ =	shalt  }
0x81: {  	_ =	shalt  }
0x82: {  	_ =	shalt  }
0x83: {  	_ =	shalt  }
0x84: {  	_ =	shalt  }
0x85: {  	_ =	shalt  }
0x86: {  	_ =	shalt  }
0x87: {  	_ =	shalt  }
.Lfunc_end0:
.L_simem_size_0:
called_computation_lowered:
.L_overlay_start_0:
0x88: {  	s2 =	sld [smem:$0x3FD9]  }
0x89: {  	s3 =	sld [smem:$0x3FFE];
	_ =	sdelay $0x1  }
0x8a: {  	s1 =	srdreg.scid  }
0x8b: {  	s0 =	sand.u32 $0x1, s1  }
0x8c: {  	s17 =	sshll.u32 s0, $0xA;
	s2 =	sadd.s32 s3, s2  }
0x8d: {  	s2 =	sadd.s32 s2, s17  }
0x8e: {  	[smem:$0x3FC3] =	sst s2  }
0x8f: {  	_ = 	snop  }
0x90: {  	(tm) =	ssettm $0x1  }
0x91: {  	s18 =	sld [smem:$0x3FFB];
	_ =	sdelay $0x3  }
0x92: {  	_ =	strace s18  }
0x93: {  	s2 =	sld [smem:$0x3FFC];
	_ =	sdelay $0x3  }
0x94: {  	_ =	strace s2  }
0x95: {  	s2 =	sld [smem:$0x3FFD];
	_ =	sdelay $0x3  }
0x96: {  	_ =	strace s2  }
0x97: {  	_ =	strace $0x8FFFFFFF  }
0x98: {  	s19 =	sld [smem:$0x3FDB];
	_ =	sdelay $0x1  }
0x99: {  	s20 =	simm.s32 $_scs_section_size  }
0x9a: {  	s4 =	simm.s32 $_size__tile_overlayer_lowered;
	s5 =	simm.s32 $_tile_overlayer_lowered  }
0x9b: {  	s6 =	simm.s32 $0x1BFF;
	s21 =	sshll.u32 s5, $0x1;
	s3 =	sadd.s32 s20, s19  }
0x9c: {  	s22 =	simm.s32 $0x0;
	s4 =	sshll.u32 s4, $0x1;
	s5 =	sadd.s32 s21, s3  }
0x9d: {  	[timem:s22], [sflag:s6] =	dma.local [hbm:s5], s4  }
0x9e: {  	_ =	swait.ge [sflag:s6], s4  }
0x9f: {  	s4 =	ssub.s32 $0x0, s4;
	[sflag:s6] =	ssyncset.done $0x0  }
0xa0: {  	[sflag:s6] =	ssyncadd.s32 s4;
	_ =	sdelay $0x1  }
0xa1: {  	s23 =	simm.s32 $0x1B8B  }
0xa2: {  	_ =	swait.ge [sflag:s23], $0x1  }
0xa3: {  	[sflag:s23] =	ssyncset.done $0x0  }
0xa4: {  	[sflag:s23] =	ssyncadd.s32 $0xFFFFFFFF  }
0xa5: {  	s4 =	sld [smem:$0x0]  }
0xa6: {  	s5 =	sand.u32 $0xFFFFFFFE, s1  }
0xa7: {  	p0 =	sne.s32 s1, s5  }
0xa8: {  	s5 =	sshll.u32 @p0 s5, $0xE  }
0xa9: {  	s5 =	sadd.s32 @p0 $0x11B8D, s5;
	s6 =	sshll.u32 @p0 s4, $0x11  }
0xaa: {  	s5 =	sor.u32 @p0 s6, s5  }
0xab: {  	[sflag:s5] =	ssyncadd.remote.s32 @p0 $0x1;
	_ =	sdelay $0x1  }
0xac: {  	s5 =	simm.s32 @p0 $0x1B8D  }
0xad: {  	_ =	swait.eq @p0 [sflag:s5], $0x1  }
0xae: {  	[sflag:s5] =	ssyncadd.s32 @p0 $0xFFFFFFFF  }
0xaf: {  	s6 =	sshll.u32 @!p0 s1, $0xE  }
0xb0: {  	s6 =	sor.u32 @!p0 $0x4000, s6;
	s5 =	simm.s32 @!p0 $0x1B8D  }
0xb1: {  	s4 =	sshll.u32 @!p0 s4, $0x11;
	s6 =	sadd.s32 @!p0 $0x11B8D, s6;
	_ =	swait.eq @!p0 [sflag:s5], $0x1  }
0xb2: {  	s4 =	sor.u32 @!p0 s4, s6;
	[sflag:s5] =	ssyncadd.s32 @!p0 $0xFFFFFFFF  }
0xb3: {  	s25 =	simm.s32 $0x1B8E;
	s24 =	sld [smem:$0x3FFE];
	[sflag:s4] =	ssyncadd.remote.s32 @!p0 $0x1  }
0xb4: {  	s26 =	simm.s32 $execute0_lowered;
	[smem:$0x3FD2] =	sst s25  }
0xb5: {  	s5 =	sshll.u32 s26, $0x1;
	_ =	strace $0x80000049;
	[dreg:$0x1] =	wrdreg $0xFFFFFFFF  }
0xb6: {  	s28 =	simm.s32 $_size_execute0_lowered;
	s3 =	sadd.s32 s3, s5;
	[dreg:$0x0] =	wrdreg $0x0  }
0xb7: {  	s5 =	sshll.u32 s28, $0x1;
	[dreg:$0x2] =	wrdreg s3  }
0xb8: {  	[dreg:$0x3] =	wrdreg s5  }
0xb9: {  	[dreg:$0x4] =	wrdreg $0xC0  }
0xba: {  	_ =	task [dreg:s22], $0x5FFFF  }
0xbb: {  	[dreg:$0x1] =	wrdreg $0xFFFFFFFF  }
0xbc: {  	[dreg:$0x0] =	wrdreg $0x60  }
0xbd: {  	[dreg:$0x2] =	wrdreg s24  }
0xbe: {  	[dreg:$0x3] =	wrdreg $0x9  }
0xbf: {  	_ =	task.clear_ibuf [dreg:s22], $0x4FFFF;
	_ =	strace $0x90000049  }
0xc0: {  	s29 =	simm.s32 $0x9;
	_ =	strace $0x8000004B  }
0xc1: {  	_ =	swait.ge [sflag:s29], $0x1  }
0xc2: {  	[sflag:s29] =	ssyncadd.s32 $0xFFFFFFFF  }
0xc3: {  	_ =	strace $0x9000004B  }
0xc4: {  	_ =	sfence  }
0xc5: {  	s30 =	sld [smem:$0x0];
	_ =	sdelay $0x2  }
0xc6: {  	s31 =	sshll.u32 s1, $0xD;
	s1 =	sshrl.u32 s1, $0x2  }
0xc7: {  	s4 =	sand.u32 $0x4000, s31;
	s1 =	sadd.s32 s1, s30  }
0xc8: {  	s0 =	sor.u32 s4, s0;
	s1 =	sshll.u32 s1, $0x11  }
0xc9: {  	s0 =	sor.u32 s1, s0  }
0xca: {  	s0 =	sadd.s32 $0x8F2B, s0  }
0xcb: {  	[sflag:s0] =	ssyncadd.remote.s32 $0x1  }
0xcc: {  	_ =	sfence.sel $0xFFFF  }
0xcd: {  	[dreg:$0x0] =	wrdreg $0xFFFFFFFF;
	(pc) =	sbr.abs _section_cstart, $3  }
0xce: {  	[dreg:$0x1] =	wrdreg $0xFFFFFFFF  }
0xcf: {  	_ =	task.clear_ibuf [dreg:s22], $0x2FFFF;
	_ =	strace $0x9FFFFFFF  }
0xd0: {  	(tm) =	ssettm $0x7FFFFFFF  }
0xd1: {  	_ =	shalt  }
tec
execute0_lowered:
.L_overlay_start_1:
0x0: {  	(tag) =	ssettag $0x1  }
0x1: {  	s1 =	srdreg.scid;
	s0 =	stileid.u32  }
0x2: {  	s4 =	sand.u32 $0x1, s1;
	s29 =	sshll.u32 s0, $0x1  }
0x3: {  	s5 =	sor.u32 s4, s29  }
0x4: {  	p1 =	seq.s32 s4, $0x1;
	p0 =	seq.s32 s5, $0x0  }
0x5: {  	s3 =	simm.s32 $0x1;
	p0 =	por !p0, !p1  }
0x6: {  	s6 =	rddreg [dreg:$0x0];
	s2 =	simm.s32 $0x0;
	p0 =	por !p0, !p0  }
0x7: {  	s9 =	simm.s32 $0x800;
	s10 =	simm.s32 $0x4800;
	s3 =	simm.s32 @!p0 $0x0  }
0x8: {  	s11 =	simm.s32 $0x0;
	s1 =	rddreg [dreg:$0x1];
	s3 =	ssub.s32 s0, s3  }
0x9: {  	[smem:$0x7FF] =	sst s2;
	s8 =	sshll.u32 s4, $0xA;
	s7 =	sshll.u32 s3, $0xC  }
0xa: {  	_ =	strace $0x8000004A;
	s4 =	ssub.s32 $0x2, s4;
	s7 =	sor.u32 s8, s7  }
0xb: {  	s5 =	sshll.u32 s5, $0xB;
	s30 =	sshrl.u32 s4, $0x1;
	s7 =	sshrl.u32 s7, $0x3  }
0xc: {  	s31 =	ssub.s32 s4, s30;
	s3 =	simm.s32 $0x1;
	s7 =	sadd.s32 s7, s6  }
0xd: {  	v2 =	vlaneseq.u32;
	s8 =	simm.s32 $0x400;
	s6 =	sadd.s32 s5, s6;
	s4 =	sadd.s32 $0x22400, s7  }
0xe: {  	v0 =	vimm.f32 $0.0e+00;
	v1 =	vimm.s32 $0x0;
	v2 =	vmul.u32 $0x80, v2;
	s5 =	sadd.s32 $0x24400, s6;
	s6 =	sadd.s32 $0x34400, s6;
	s7 =	smax.u32 s31, $0x1  }
.LBB2_1:
0xf: {  	[tilespmem:s2], [sflag:$0x1] =	stream.strided.gather [hbm4b:s4+s8], $0x800, s9, s8, $0x38;
	[tilespmem:$0x8800] =	vst v63  }
0x10: {  	_ =	swait.ge [sflag:s3], $0x800  }
0x11: {  	[sflag:s3] =	ssyncset.done $0x0  }
0x12: {  	s12 =	simm.s32 $0x0;
	[sflag:s3] =	ssyncadd.s32 $0xFFFFF800  }
.LBB2_2:
0x13: {  	p0 =	sne.s32 s12, $0xFE00  }
.Ltmp0:
0x14: {  	_ = 	snop;
	(pc) =	sbr.rel @p0 .LBB2_2-.Ltmp0, $3  }
0x15: {  	_ =	sdelay $0x1  }
0x16: {  	s13 =	sshra.s32 s12, $0x2  }
0x17: {  	s12 =	sadd.s32 $0x200, s12;
	[tilespmem:s13+$0x800] =	vst v0  }
0x18: {  	s12 =	simm.s32 $0x400  }
0x19: {  	v3 =	vld [tilespmem:s12+$0xFFFFFC80];
	_ =	sdelay $0x1  }
0x1a: {  	v4 =	vld [tilespmem:s12+$0xFFFFFC00];
	_ =	sdelay $0x2  }
0x1b: {  	v5 =	vld [tilespmem:s12+$0xFFFFFD00];
	vm0 =	vlt.f32 v3, $-Inf;
	vm1 =	vgt.f32 v3, $-Inf  }
0x1c: {  	v6 =	vimm.s32 $0x0;
	vm0 =	vmor vm1, vm0  }
0x1d: {  	vm12 =	vgt.f32 v3, v4;
	v6 =	vsel vm0, $0xFFFFFFFF, v6  }
0x1e: {  	v7 =	vld [tilespmem:s12+$0xFFFFFD80];
	vm14 =	vmneg vm12;
	[tilespmem:$0x1FF50] =	vst v6;
	v6 =	vnsel vm0, $0xFF800000, v3  }
0x1f: {  	v6 =	vsel vm14, v6, v4  }
0x20: {  	v3 =	vsel vm14, v4, v3;
	vm15 =	vgt.f32 v5, v6  }
0x21: {  	vm9 =	vgt.f32 v5, v3;
	v4 =	vsel vm15, v5, v6;
	v6 =	vld [tilespmem:s12+$0xFFFFFE00]  }
0x22: {  	v4 =	vsel vm9, v3, v4  }
0x23: {  	v3 =	vsel vm9, v5, v3;
	v5 =	vimm.s32 $0x0;
	vm13 =	vgt.f32 v7, v4  }
0x24: {  	vm6 =	vgt.f32 v7, v3;
	v5 =	vsel vm13, $0xFFFFFFFF, v5;
	v4 =	vsel vm13, v7, v4  }
0x25: {  	[tilespmem:$0x1FF60] =	vst v5;
	v5 =	vld [tilespmem:s12+$0xFFFFFE80];
	v4 =	vsel vm6, v3, v4  }
0x26: {  	v3 =	vsel vm6, v7, v3;
	v7 =	vimm.s32 $0x0;
	vm4 =	vgt.f32 v6, v4  }
0x27: {  	v7 =	vsel vm4, $0xFFFFFFFF, v7  }
0x28: {  	vm10 =	vgt.f32 v6, v3;
	v4 =	vsel vm4, v6, v4;
	[tilespmem:$0x1FF70] =	vst v7;
	v7 =	vld [tilespmem:s12+$0xFFFFFF00]  }
0x29: {  	v4 =	vsel vm10, v3, v4  }
0x2a: {  	v3 =	vsel vm10, v6, v3;
	v6 =	vimm.s32 $0x0;
	vm5 =	vgt.f32 v5, v4  }
0x2b: {  	vm8 =	vgt.f32 v5, v3;
	v6 =	vsel vm5, $0xFFFFFFFF, v6;
	v4 =	vsel vm5, v5, v4  }
0x2c: {  	[tilespmem:$0x1FF80] =	vst v6;
	v6 =	vld [tilespmem:s12+$0xFFFFFF80];
	v4 =	vsel vm8, v3, v4  }
0x2d: {  	v3 =	vsel vm8, v5, v3;
	v5 =	vimm.s32 $0x0;
	vm13 =	vgt.f32 v7, v4  }
0x2e: {  	v5 =	vsel vm13, $0xFFFFFFFF, v5  }
0x2f: {  	vm7 =	vgt.f32 v7, v3;
	v4 =	vsel vm13, v7, v4;
	[tilespmem:$0x1FF90] =	vst v5;
	v5 =	vld [tilespmem:s12+$0x0]  }
0x30: {  	v4 =	vsel vm7, v3, v4  }
0x31: {  	v3 =	vsel vm7, v7, v3;
	v7 =	vimm.s32 $0x0;
	vm5 =	vgt.f32 v6, v4  }
0x32: {  	vm11 =	vgt.f32 v6, v3;
	v7 =	vsel vm5, $0xFFFFFFFF, v7;
	v4 =	vsel vm5, v6, v4  }
0x33: {  	[tilespmem:$0x1FFA0] =	vst v7;
	v7 =	vld [tilespmem:s12+$0x80];
	v4 =	vsel vm11, v3, v4  }
0x34: {  	v3 =	vsel vm11, v6, v3;
	v6 =	vimm.s32 $0x0;
	vm13 =	vgt.f32 v5, v4  }
0x35: {  	v6 =	vsel vm13, $0xFFFFFFFF, v6  }
0x36: {  	vm5 =	vgt.f32 v5, v3;
	v4 =	vsel vm13, v5, v4;
	[tilespmem:$0x1FFB0] =	vst v6;
	v6 =	vld [tilespmem:s12+$0x100]  }
0x37: {  	v4 =	vsel vm5, v3, v4  }
0x38: {  	v3 =	vsel vm5, v5, v3;
	v5 =	vimm.s32 $0x0;
	vm4 =	vgt.f32 v7, v4  }
0x39: {  	v5 =	vsel vm4, $0xFFFFFFFF, v5;
	v4 =	vsel vm4, v7, v4;
	vm4 =	vgt.f32 v7, v3  }
0x3a: {  	[tilespmem:$0x1FFC0] =	vst v5;
	v5 =	vld [tilespmem:s12+$0x180];
	v4 =	vsel vm4, v3, v4  }
0x3b: {  	v3 =	vsel vm4, v7, v3;
	v7 =	vimm.s32 $0x0;
	vm13 =	vgt.f32 v6, v4  }
0x3c: {  	v7 =	vsel vm13, $0xFFFFFFFF, v7  }
0x3d: {  	vm3 =	vgt.f32 v6, v3;
	v4 =	vsel vm13, v6, v4;
	[tilespmem:$0x1FFD0] =	vst v7;
	v7 =	vld [tilespmem:s12+$0x200]  }
0x3e: {  	v4 =	vsel vm3, v3, v4  }
0x3f: {  	v3 =	vsel vm3, v6, v3;
	vm13 =	vgt.f32 v5, v4  }
0x40: {  	vm2 =	vgt.f32 v5, v3;
	v4 =	vsel vm13, v5, v4  }
0x41: {  	v6 =	vimm.s32 $0x0;
	v4 =	vsel vm2, v3, v4  }
0x42: {  	v6 =	vsel vm13, $0xFFFFFFFF, v6;
	v3 =	vsel vm2, v5, v3;
	vm13 =	vgt.f32 v7, v4  }
0x43: {  	[tilespmem:$0x1FFE0] =	vst v6;
	v6 =	vld [tilespmem:s12+$0x280];
	vm1 =	vgt.f32 v7, v3;
	v4 =	vsel vm13, v7, v4  }
0x44: {  	v4 =	vsel vm1, v3, v4;
	v3 =	vsel vm1, v7, v3;
	v7 =	vld [tilespmem:$0x1FF50]  }
0x45: {  	v5 =	vimm.s32 $0x0  }
0x46: {  	v5 =	vsel vm13, $0xFFFFFFFF, v5  }
0x47: {  	[tilespmem:$0x1FFF0] =	vst v5;
	v5 =	vld [tilespmem:s12+$0x300]  }
0x48: {  	v9 =	vsel vm12, $0x1, v1;
	v60 =	vld [tilespmem:$0x1FF60]  }
0x49: {  	v59 =	vsel vm9, $0x2, v9;
	v61 =	vld [tilespmem:$0x1FF70];
	vm13 =	vgt.f32 v6, v4;
	vm0 =	vnez.u8 v7  }
0x4a: {  	v4 =	vsel vm13, v6, v4;
	v7 =	vld [tilespmem:s12+$0x380];
	vm0 =	vmand vm14, vm0;
	vm14 =	vgt.f32 v6, v3  }
0x4b: {  	v8 =	vsel vm0, $0x1, v1;
	v4 =	vsel vm14, v3, v4;
	v3 =	vsel vm14, v6, v3  }
0x4c: {  	v8 =	vsel vm15, $0x2, v8;
	vm12 =	vgt.f32 v5, v4;
	vm0 =	vgt.f32 v5, v3  }
0x4d: {  	vm15 =	vnez.u8 v60;
	v6 =	vsel vm9, v9, v8;
	v4 =	vsel vm12, v5, v4  }
0x4e: {  	v6 =	vsel vm15, $0x3, v6;
	v4 =	vsel vm0, v3, v4;
	v3 =	vsel vm0, v5, v3  }
0x4f: {  	v5 =	vsel vm6, $0x3, v59;
	vm15 =	vnez.u8 v61;
	vm9 =	vgt.f32 v7, v4  }
0x50: {  	v6 =	vsel vm6, v59, v6;
	vm6 =	vgt.f32 v7, v3;
	v4 =	vsel vm9, v7, v4  }
0x51: {  	v6 =	vsel vm15, $0x4, v6;
	v4 =	vsel vm6, v3, v4;
	v3 =	vsel vm6, v7, v3  }
0x52: {  	v3 =	vsub.f32 v4, v3;
	v4 =	vsel vm10, v5, v6;
	v6 =	vld [tilespmem:$0x1FF80];
	_ =	sdelay $0x4  }
0x53: {  	vm15 =	vnez.u8 v6;
	v6 =	vld [tilespmem:$0x1FF90];
	_ =	sdelay $0x3  }
0x54: {  	v5 =	vsel vm10, $0x4, v5;
	v4 =	vsel vm15, $0x5, v4  }
0x55: {  	v3 =	vmul.f32 $1.442695020e+00, v3;
	v4 =	vsel vm8, v5, v4;
	vm15 =	vnez.u8 v6  }
0x56: {  	v5 =	vsel vm8, $0x5, v5;
	v4 =	vsel vm15, $0x6, v4  }
0x57: {  	(erf) = vpow2.f32 v3;
	v3 =	vsel vm7, v5, v4;
	v4 =	vsel vm7, $0x6, v5;
	v5 =	vld [tilespmem:$0x1FFA0];
	_ =	sdelay $0x4  }
0x58: {  	vm10 =	vnez.u8 v5;
	v5 =	vld [tilespmem:$0x1FFB0];
	_ =	sdelay $0x4  }
0x59: {  	vm15 =	vnez.u8 v5;
	v5 =	vld [tilespmem:$0x1FFC0];
	_ =	sdelay $0x4  }
0x5a: {  	vm8 =	vnez.u8 v5;
	v5 =	vld [tilespmem:$0x1FFD0];
	_ =	sdelay $0x2  }
0x5b: {  	v3 =	vsel vm10, $0x7, v3  }
0x5c: {  	v3 =	vsel vm11, v4, v3  }
0x5d: {  	v4 =	vsel vm11, $0x7, v4;
	v3 =	vsel vm15, $0x8, v3;
	vm10 =	vnez.u8 v5;
	v5 =	vld [tilespmem:$0x1FFE0]  }
0x5e: {  	v3 =	vsel vm5, v4, v3  }
0x5f: {  	v7 =	vld [tilespmem:$0x1FFF0];
	v4 =	vsel vm5, $0x8, v4;
	v3 =	vsel vm8, $0x9, v3  }
0x60: {  	v3 =	vsel vm4, v4, v3  }
0x61: {  	v4 =	vsel vm4, $0x9, v4;
	v3 =	vsel vm10, $0xA, v3  }
0x62: {  	v3 =	vsel vm3, v4, v3;
	vm11 =	vnez.u8 v5  }
0x63: {  	v4 =	vsel vm3, $0xA, v4;
	v3 =	vsel vm11, $0xB, v3  }
0x64: {  	vm15 =	vnez.u8 v7;
	v5 =	vpop (erf);
	v3 =	vsel vm2, v4, v3  }
0x65: {  	v6 =	vadd.f32 $1.000000000e+00, v5;
	v4 =	vsel vm2, $0xB, v4;
	v3 =	vsel vm15, $0xC, v3  }
0x66: {  	v3 =	vsel vm1, v4, v3  }
0x67: {  	(erf) = vrcp.f32 v6;
	v4 =	vsel vm1, $0xC, v4;
	v3 =	vsel vm13, $0xD, v3  }
0x68: {  	s13 =	simm.s32 $0x0;
	v3 =	vsel vm14, v4, v3  }
0x69: {  	v6 =	vmov s13;
	v4 =	vsel vm14, $0xD, v4;
	v3 =	vsel vm12, $0xE, v3  }
0x6a: {  	v6 =	vshll.u32 v6, $0x7;
	v3 =	vsel vm0, v4, v3;
	v4 =	vsel vm0, $0xE, v4  }
0x6b: {  	v6 =	vor.u32 v2, v6;
	v3 =	vsel vm9, $0xF, v3;
	v7 =	vsel vm6, $0xF, v4  }
0x6c: {  	v3 =	vsel vm6, v4, v3;
	v4 =	vor.u32 v6, v7;
	_ =	sdelay $0x1  }
0x6d: {  	v62 =	vor.u32 v6, v3;
	_ =	sdelay $0x1  }
0x6e: {  	v63 =	vpop (erf)  }
0x6f: {  	v5 =	vmul.f32 v63, v5;
	[tilespmem:v4+s9+$0x0] =	vst.idx.msk $0xffff, v63;
	v4 =	vor.u32 $0x1, v6;
	_ =	sdelay $0x1  }
0x70: {  	[tilespmem:v62+s9+$0x0] =	vst.idx.msk $0xffff, v5  }
0x71: {  	s13 =	simm.s32 $0x10;
	[tilespmem:v6+s10+$0x0] =	vst.idx.msk $0xffff, v7  }
.LBB2_4:
0x72: {  	p0 =	sne.s32 s13, $0x70  }
0x73: {  	[tilespmem:v4+s10+$0x0] =	vst.idx.msk $0xffff, v3;
	s12 =	sadd.s32 $0x10, s12;
	s14 =	smov.u32 s13;
	s13 =	sadd.s32 $0x10, s13  }
0x74: {  	v3 =	vld [tilespmem:s12+$0xFFFFFC80]  }
0x75: {  	v4 =	vld [tilespmem:s12+$0xFFFFFC00];
	_ =	sdelay $0x2  }
0x76: {  	v5 =	vld [tilespmem:s12+$0xFFFFFD00]  }
0x77: {  	vm0 =	vlt.f32 v3, $-Inf;
	vm1 =	vgt.f32 v3, $-Inf  }
0x78: {  	vm2 =	vgt.f32 v3, v4;
	vm0 =	vmor vm1, vm0  }
0x79: {  	vm1 =	vmneg vm2;
	v6 =	vnsel vm0, $0xFF800000, v3;
	v7 =	vld [tilespmem:s12+$0xFFFFFD80]  }
0x7a: {  	v6 =	vsel vm1, v6, v4;
	vm0 =	vmand vm1, vm0;
	v3 =	vsel vm1, v4, v3  }
0x7b: {  	v8 =	vsel vm2, $0x1, v1;
	v4 =	vsel vm0, $0x1, v1;
	vm0 =	vgt.f32 v5, v6  }
0x7c: {  	vm1 =	vgt.f32 v5, v3;
	v6 =	vsel vm0, v5, v6;
	v4 =	vsel vm0, $0x2, v4;
	v9 =	vld [tilespmem:s12+$0xFFFFFE00]  }
0x7d: {  	v6 =	vsel vm1, v3, v6;
	v4 =	vsel vm1, v8, v4;
	v3 =	vsel vm1, v5, v3  }
0x7e: {  	v5 =	vsel vm1, $0x2, v8;
	vm0 =	vgt.f32 v7, v6  }
0x7f: {  	vm1 =	vgt.f32 v7, v3;
	v6 =	vsel vm0, v7, v6;
	v4 =	vsel vm0, $0x3, v4;
	v8 =	vld [tilespmem:s12+$0xFFFFFE80]  }
0x80: {  	v6 =	vsel vm1, v3, v6;
	v4 =	vsel vm1, v5, v4;
	v3 =	vsel vm1, v7, v3  }
0x81: {  	v5 =	vsel vm1, $0x3, v5;
	vm0 =	vgt.f32 v9, v6  }
0x82: {  	vm1 =	vgt.f32 v9, v3;
	v6 =	vsel vm0, v9, v6;
	v4 =	vsel vm0, $0x4, v4;
	v7 =	vld [tilespmem:s12+$0xFFFFFF00]  }
0x83: {  	v6 =	vsel vm1, v3, v6;
	v4 =	vsel vm1, v5, v4;
	v3 =	vsel vm1, v9, v3  }
0x84: {  	v5 =	vsel vm1, $0x4, v5;
	vm0 =	vgt.f32 v8, v6  }
0x85: {  	vm1 =	vgt.f32 v8, v3;
	v6 =	vsel vm0, v8, v6;
	v4 =	vsel vm0, $0x5, v4;
	v9 =	vld [tilespmem:s12+$0xFFFFFF80]  }
0x86: {  	v6 =	vsel vm1, v3, v6;
	v4 =	vsel vm1, v5, v4;
	v3 =	vsel vm1, v8, v3  }
0x87: {  	v5 =	vsel vm1, $0x5, v5;
	vm0 =	vgt.f32 v7, v6  }
0x88: {  	vm1 =	vgt.f32 v7, v3;
	v6 =	vsel vm0, v7, v6;
	v4 =	vsel vm0, $0x6, v4;
	v8 =	vld [tilespmem:s12+$0x0]  }
0x89: {  	v6 =	vsel vm1, v3, v6;
	v4 =	vsel vm1, v5, v4;
	v3 =	vsel vm1, v7, v3  }
0x8a: {  	v5 =	vsel vm1, $0x6, v5;
	vm0 =	vgt.f32 v9, v6  }
0x8b: {  	vm1 =	vgt.f32 v9, v3;
	v6 =	vsel vm0, v9, v6;
	v4 =	vsel vm0, $0x7, v4;
	v7 =	vld [tilespmem:s12+$0x80]  }
0x8c: {  	v6 =	vsel vm1, v3, v6;
	v4 =	vsel vm1, v5, v4;
	v3 =	vsel vm1, v9, v3  }
0x8d: {  	v5 =	vsel vm1, $0x7, v5;
	vm0 =	vgt.f32 v8, v6  }
0x8e: {  	vm1 =	vgt.f32 v8, v3;
	v6 =	vsel vm0, v8, v6;
	v4 =	vsel vm0, $0x8, v4;
	v9 =	vld [tilespmem:s12+$0x100]  }
0x8f: {  	v6 =	vsel vm1, v3, v6;
	v4 =	vsel vm1, v5, v4;
	v3 =	vsel vm1, v8, v3  }
0x90: {  	v5 =	vsel vm1, $0x8, v5;
	vm0 =	vgt.f32 v7, v6  }
0x91: {  	vm1 =	vgt.f32 v7, v3;
	v6 =	vsel vm0, v7, v6;
	v4 =	vsel vm0, $0x9, v4;
	v8 =	vld [tilespmem:s12+$0x180]  }
0x92: {  	v6 =	vsel vm1, v3, v6;
	v3 =	vsel vm1, v7, v3;
	v7 =	vsel vm1, $0x9, v5  }
0x93: {  	v4 =	vsel vm1, v5, v4;
	vm0 =	vgt.f32 v9, v6  }
0x94: {  	vm1 =	vgt.f32 v9, v3;
	v5 =	vsel vm0, v9, v6;
	v4 =	vsel vm0, $0xA, v4;
	v6 =	vld [tilespmem:s12+$0x200]  }
0x95: {  	v5 =	vsel vm1, v3, v5;
	v4 =	vsel vm1, v7, v4;
	v3 =	vsel vm1, v9, v3  }
0x96: {  	v7 =	vsel vm1, $0xA, v7;
	vm0 =	vgt.f32 v8, v5  }
0x97: {  	vm1 =	vgt.f32 v8, v3;
	v5 =	vsel vm0, v8, v5;
	v4 =	vsel vm0, $0xB, v4;
	v9 =	vld [tilespmem:s12+$0x280]  }
0x98: {  	v5 =	vsel vm1, v3, v5;
	v4 =	vsel vm1, v7, v4  }
0x99: {  	v3 =	vsel vm1, v8, v3;
	v7 =	vsel vm1, $0xB, v7;
	vm0 =	vgt.f32 v6, v5  }
0x9a: {  	vm1 =	vgt.f32 v6, v3;
	v5 =	vsel vm0, v6, v5;
	v4 =	vsel vm0, $0xC, v4;
	v8 =	vld [tilespmem:s12+$0x300]  }
0x9b: {  	v5 =	vsel vm1, v3, v5;
	v4 =	vsel vm1, v7, v4  }
0x9c: {  	v3 =	vsel vm1, v6, v3;
	v6 =	vsel vm1, $0xC, v7;
	vm0 =	vgt.f32 v9, v5  }
0x9d: {  	vm1 =	vgt.f32 v9, v3;
	v5 =	vsel vm0, v9, v5;
	v4 =	vsel vm0, $0xD, v4;
	v7 =	vld [tilespmem:s12+$0x380]  }
0x9e: {  	v5 =	vsel vm1, v3, v5;
	v4 =	vsel vm1, v6, v4;
	v3 =	vsel vm1, v9, v3  }
0x9f: {  	v6 =	vsel vm1, $0xD, v6;
	vm0 =	vgt.f32 v8, v5  }
0xa0: {  	vm1 =	vgt.f32 v8, v3;
	v5 =	vsel vm0, v8, v5;
	v4 =	vsel vm0, $0xE, v4  }
0xa1: {  	v8 =	vsel vm1, v8, v3;
	v5 =	vsel vm1, v3, v5;
	v4 =	vsel vm1, v6, v4  }
0xa2: {  	v6 =	vsel vm1, $0xE, v6;
	vm1 =	vgt.f32 v7, v5  }
0xa3: {  	vm0 =	vgt.f32 v7, v8;
	v3 =	vsel vm1, v7, v5;
	v4 =	vsel vm1, $0xF, v4  }
0xa4: {  	v5 =	vsel vm0, v8, v3;
	v3 =	vsel vm0, v6, v4;
	v4 =	vsel vm0, v7, v8  }
0xa5: {  	v4 =	vsub.f32 v5, v4;
	_ =	sdelay $0x1  }
0xa6: {  	v4 =	vmul.f32 $1.442695020e+00, v4;
	_ =	sdelay $0x1  }
0xa7: {  	(erf) = vpow2.f32 v4;
	_ =	sdelay $0x8  }
0xa8: {  	v5 =	vpop (erf)  }
0xa9: {  	v4 =	vadd.f32 $1.000000000e+00, v5;
	_ =	sdelay $0x1  }
0xaa: {  	(erf) = vrcp.f32 v4;
	_ =	sdelay $0x2  }
0xab: {  	v4 =	vmov s14  }
0xac: {  	v4 =	vshll.u32 v4, $0x7  }
0xad: {  	v6 =	vsel vm0, $0xF, v6;
	v7 =	vor.u32 v2, v4  }
0xae: {  	v8 =	vor.u32 v7, v6  }
0xaf: {  	v9 =	vor.u32 v7, v3;
	_ =	sdelay $0x1  }
.Ltmp1:
0xb0: {  	v4 =	vor.u32 $0x1, v7;
	v10 =	vpop (erf);
	(pc) =	sbr.rel @p0 .LBB2_4-.Ltmp1, $4  }
0xb1: {  	v5 =	vmul.f32 v10, v5  }
0xb2: {  	[tilespmem:v8+s9+$0x0] =	vst.idx.msk $0xffff, v10  }
0xb3: {  	[tilespmem:v9+s9+$0x0] =	vst.idx.msk $0xffff, v5  }
0xb4: {  	[tilespmem:v7+s10+$0x0] =	vst.idx.msk $0xffff, v6  }
0xb5: {  	_ =	sdelay $0x3  }
0xb6: {  	[tilespmem:v4+s10+$0x0] =	vst.idx.msk $0xffff, v3  }
0xb7: {  	[hbm4b:s5+s2] =	stream.linear.scatter [tilespmem:s9], [sflag:$0x1], $0x4000, $0x38;
	[tilespmem:$0x8800] =	vst v63  }
0xb8: {  	s11 =	sadd.s32 $0x1, s11;
	_ =	swait.ge [sflag:s3], $0x4000  }
0xb9: {  	p0 =	sne.s32 s11, s7;
	[sflag:s3] =	ssyncset.done $0x0  }
.Ltmp2:
0xba: {  	[sflag:s3] =	ssyncadd.s32 $0xFFFFC000;
	(pc) =	sbr.rel @p0 .LBB2_1-.Ltmp2, $4  }
0xbb: {  	[hbm4b:s6+s2] =	stream.linear.scatter [tilespmem:s10], [sflag:$0x1], $0x4000, $0x38;
	[tilespmem:$0x8800] =	vst v63  }
0xbc: {  	_ =	swait.ge [sflag:s3], $0x4000  }
0xbd: {  	[sflag:s3] =	ssyncset.done $0x0  }
0xbe: {  	[sflag:s3] =	ssyncadd.s32 $0xFFFFC000  }
0xbf: {  	_ =	sfence.sel $0x180000  }
0xc0: {  	[bflag:$0x0] =	sbarrier.arrive $0xFFFF  }
0xc1: {  	p0 =	sne.s32 s0, $0x0;
	_ =	strace $0x9000004A  }
0xc2: {  	s0 =	sadd.s32 @!p0 $0x100000, s1;
	[bflag:$0x2] =	sbarrier.arrive $0xFFFF  }
0xc3: {  	[sflag:s0] =	ssyncadd.tile.s32 @!p0 $0x1;
	_ =	shalt  }
.Lfunc_end2:
_tile_overlayer_lowered:
.L_overlay_start_2:
0xc4: {  	(tag) =	ssettag $0x2  }
0xc5: {  	s0 =	rddreg [dreg:$0x0];
	s2 =	stileid.u32  }
0xc6: {  	s1 =	rddreg [dreg:$0x1];
	p0 =	sne.s32 s2, $0x0  }
0xc7: {  	s3 =	rddreg [dreg:$0x2];
	[bflag:$0x3] =	sbarrier.arrive $0xFFFF;
	s2 =	simm.s32 @!p0 $0x1C01  }
0xc8: {  	[timem:s3], [sflag:s2] =	dma.local @!p0 [hbm:s0], s1  }
0xc9: {  	s0 =	simm.s32 @!p0 $0x1  }
0xca: {  	_ =	swait.ge @!p0 [sflag:s0], s1  }
0xcb: {  	s1 =	ssub.s32 @!p0 $0x0, s1;
	[sflag:s0] =	ssyncset.done @!p0 $0x0  }
0xcc: {  	[sflag:s0] =	ssyncadd.s32 @!p0 s1  }
0xcd: {  	[bflag:$0x3] =	sbarrier.arrive $0xFFFF  }
0xce: {  	_ =	shalt  }

// kernel: kernel.9.cloned.1.call-start
scs
__scs_entry_jumppad:
0x0: {  	(pc) =	sbr.rel $0x88, $3  }
0x1: {  	(tag) =	ssettag $0x0;
	lr =	simm.s32 $0x1  }
0x2: {  	[smem:$0x3F9C] =	sst lr;
	_ =	strace $0xD0000000  }
0x3: {  	_ = 	snop  }
0x4: {  	_ = 	snop  }
0x5: {  	_ = 	snop  }
0x6: {  	_ = 	snop  }
0x7: {  	_ = 	snop  }
__scs_overlays_trampoline_lowered:
0x8: {  	[smem:$0x3FAB] =	sst s0  }
0x9: {  	[smem:$0x3FAC] =	sst s1  }
0xa: {  	[smem:$0x3FAD] =	sst s2  }
0xb: {  	[smem:$0x3FAE] =	sst s3  }
0xc: {  	[smem:$0x3FAF] =	sst s4  }
0xd: {  	[smem:$0x3FB0] =	sst s5  }
0xe: {  	[smem:$0x3FB1] =	sst s6  }
0xf: {  	[smem:$0x3FB2] =	sst s7  }
0x10: {  	[smem:$0x3FB3] =	sst s8  }
0x11: {  	[smem:$0x3FB4] =	sst s9;
	s0 =	simm.s32 @!p0 $0x0  }
0x12: {  	s1 =	sld [smem:$0x3F9A];
	s0 =	simm.s32 @p0 $0x1  }
0x13: {  	[smem:$0x3FB5] =	sst s0;
	s0 =	simm.s32 @!p1 $0x0  }
0x14: {  	s2 =	sld [smem:$0x3F99];
	s0 =	simm.s32 @p1 $0x1  }
0x15: {  	[smem:$0x3FB6] =	sst s0;
	s0 =	simm.s32 @!p2 $0x0  }
0x16: {  	s3 =	sld [smem:$0x3FDB];
	s0 =	simm.s32 @p2 $0x1  }
0x17: {  	s4 =	simm.s32 $0x1BF5;
	[smem:$0x3FB8] =	sst s0  }
0x18: {  	s0 =	sld [smem:$0x3F9B];
	_ =	swait.ge [sflag:s4], $0x0  }
0x19: {  	s7 =	sld [smem:$0x3F9C]  }
0x1a: {  	s8 =	sadd.s32 $0xFFFFE003, lr  }
0x1b: {  	s9 =	sadd.s32 $0xFFFFFEF7, lr;
	s5 =	simm.s32 $0xFFFFFFFF;
	p2 =	slt.u32 s8, $0xFFFFF086  }
0x1c: {  	p1 =	slt.u32 s9, $0xF7A;
	s5 =	simm.s32 @!p2 $0x0  }
0x1d: {  	s5 =	simm.s32 @p1 $0x1;
	p0 =	seq.s32 s7, s2  }
0x1e: {  	s7 =	smul.u32 @!p0 $0xF7A, s2;
	p2 =	seq.s32 @!p0 s5, $0x0  }
0x1f: {  	s9 =	smul.u32 $0xF7A, s1;
	s8 =	simm.s32 @!p0 $0x1BF5;
	p2 =	por !p2, p0  }
0x20: {  	[sflag:s8] =	ssyncset.s32 @!p0 $0xFFFFF086;
	s6 =	sadd.s32 @!p0 s3, s7;
	s7 =	simm.s32 @!p0 $0x108  }
0x21: {  	s3 =	sadd.s32 s3, s9;
	s6 =	sadd.s32 @!p0 $0x88, s6;
	s7 =	simm.s32 @p2 $0x1082  }
0x22: {  	[simem:s7], [sflag:s8] =	dma.local @!p0 [hbm:s6], $0xF7A  }
0x23: {  	s9 =	sor.u32 $0xD0000000, s2;
	s6 =	simm.s32 $0x108;
	_ =	swait.ge @!p0 [sflag:s8], $0x0  }
0x24: {  	s3 =	sadd.s32 $0x88, s3;
	s6 =	simm.s32 @!p1 $0x1082;
	[sflag:s4] =	ssyncset.s32 $0xFFFFF086  }
0x25: {  	[simem:s6], [sflag:s4] =	dma.local [hbm:s3], $0xF7A  }
0x26: {  	[smem:$0x3F9C] =	sst s1;
	(tag) =	ssettag s2;
	_ =	strace s9  }
0x27: {  	s1 =	sld [smem:$0x3FAC]  }
0x28: {  	s2 =	sld [smem:$0x3FAD]  }
0x29: {  	s4 =	sld [smem:$0x3FAF]  }
0x2a: {  	p0 =	seq.s32 s5, $0x0;
	s5 =	sld [smem:$0x3FB0]  }
0x2b: {  	s6 =	sld [smem:$0x3FB1]  }
0x2c: {  	s7 =	sld [smem:$0x3FB2]  }
0x2d: {  	s3 =	simm.s32 $0x108;
	s8 =	sld [smem:$0x3FB3]  }
0x2e: {  	s3 =	simm.s32 @!p0 $0x1082;
	s9 =	sld [smem:$0x3FB4]  }
0x2f: {  	lr =	sadd.s32 s0, s3;
	s0 =	sld [smem:$0x3FAB]  }
0x30: {  	s3 =	sld [smem:$0x3FAE]  }
0x31: {  	[smem:$0x3FB7] =	sst s10  }
0x32: {  	s10 =	sld [smem:$0x3FB5];
	_ =	sdelay $0x3  }
0x33: {  	p0 =	seq.s32 s10, $0x1;
	s10 =	sld [smem:$0x3FB7];
	_ =	sdelay $0x3  }
0x34: {  	[smem:$0x3FB7] =	sst s10  }
0x35: {  	s10 =	sld [smem:$0x3FB6];
	_ =	sdelay $0x3  }
0x36: {  	p1 =	seq.s32 s10, $0x1;
	s10 =	sld [smem:$0x3FB7];
	_ =	sdelay $0x3  }
0x37: {  	[smem:$0x3FB7] =	sst s10  }
0x38: {  	s10 =	sld [smem:$0x3FB8]  }
0x39: {  	_ = 	snop;
	(pc) =	sbr.ind lr, $3  }
0x3a: {  	_ = 	snop  }
0x3b: {  	_ = 	snop  }
0x3c: {  	p2 =	seq.s32 s10, $0x1;
	s10 =	sld [smem:$0x3FB7]  }
0x3d: {  	_ =	shalt  }
0x3e: {  	_ =	shalt  }
0x3f: {  	_ =	shalt  }
0x40: {  	_ =	shalt  }
0x41: {  	_ =	shalt  }
0x42: {  	_ =	shalt  }
0x43: {  	_ =	shalt  }
0x44: {  	_ =	shalt  }
0x45: {  	_ =	shalt  }
0x46: {  	_ =	shalt  }
0x47: {  	_ =	shalt  }
0x48: {  	_ =	shalt  }
0x49: {  	_ =	shalt  }
0x4a: {  	_ =	shalt  }
0x4b: {  	_ =	shalt  }
0x4c: {  	_ =	shalt  }
0x4d: {  	_ =	shalt  }
0x4e: {  	_ =	shalt  }
0x4f: {  	_ =	shalt  }
0x50: {  	_ =	shalt  }
0x51: {  	_ =	shalt  }
0x52: {  	_ =	shalt  }
0x53: {  	_ =	shalt  }
0x54: {  	_ =	shalt  }
0x55: {  	_ =	shalt  }
0x56: {  	_ =	shalt  }
0x57: {  	_ =	shalt  }
0x58: {  	_ =	shalt  }
0x59: {  	_ =	shalt  }
0x5a: {  	_ =	shalt  }
0x5b: {  	_ =	shalt  }
0x5c: {  	_ =	shalt  }
0x5d: {  	_ =	shalt  }
0x5e: {  	_ =	shalt  }
0x5f: {  	_ =	shalt  }
0x60: {  	_ =	shalt  }
0x61: {  	_ =	shalt  }
0x62: {  	_ =	shalt  }
0x63: {  	_ =	shalt  }
0x64: {  	_ =	shalt  }
0x65: {  	_ =	shalt  }
0x66: {  	_ =	shalt  }
0x67: {  	_ =	shalt  }
0x68: {  	_ =	shalt  }
0x69: {  	_ =	shalt  }
0x6a: {  	_ =	shalt  }
0x6b: {  	_ =	shalt  }
0x6c: {  	_ =	shalt  }
0x6d: {  	_ =	shalt  }
0x6e: {  	_ =	shalt  }
0x6f: {  	_ =	shalt  }
0x70: {  	_ =	shalt  }
0x71: {  	_ =	shalt  }
0x72: {  	_ =	shalt  }
0x73: {  	_ =	shalt  }
0x74: {  	_ =	shalt  }
0x75: {  	_ =	shalt  }
0x76: {  	_ =	shalt  }
0x77: {  	_ =	shalt  }
0x78: {  	_ =	shalt  }
0x79: {  	_ =	shalt  }
0x7a: {  	_ =	shalt  }
0x7b: {  	_ =	shalt  }
0x7c: {  	_ =	shalt  }
0x7d: {  	_ =	shalt  }
0x7e: {  	_ =	shalt  }
0x7f: {  	_ =	shalt  }
0x80: {  	_ =	shalt  }
0x81: {  	_ =	shalt  }
0x82: {  	_ =	shalt  }
0x83: {  	_ =	shalt  }
0x84: {  	_ =	shalt  }
0x85: {  	_ =	shalt  }
0x86: {  	_ =	shalt  }
0x87: {  	_ =	shalt  }
.Lfunc_end0:
.L_simem_size_0:
called_computation.1_lowered:
.L_overlay_start_0:
0x88: {  	s2 =	sld [smem:$0x3FD9]  }
0x89: {  	s3 =	sld [smem:$0x3FFE];
	_ =	sdelay $0x1  }
0x8a: {  	s1 =	srdreg.scid  }
0x8b: {  	s0 =	sand.u32 $0x1, s1  }
0x8c: {  	s14 =	sshll.u32 s0, $0xA;
	s2 =	sadd.s32 s3, s2  }
0x8d: {  	s2 =	sadd.s32 s2, s14  }
0x8e: {  	[smem:$0x3FC3] =	sst s2  }
0x8f: {  	_ = 	snop  }
0x90: {  	s2 =	sld [smem:$0x3FD0];
	_ =	sdelay $0x2  }
0x91: {  	s15 =	simm.s32 $0xB;
	s4 =	simm.s32 $0x10  }
0x92: {  	[smem:s4], [sflag:s15] =	dma.local [hbm:s2], $0x1  }
0x93: {  	_ =	swait.eq [sflag:s15], $0x1  }
0x94: {  	[sflag:s15] =	ssyncset.done $0x0  }
0x95: {  	[sflag:s15] =	ssyncadd.s32 $0xFFFFFFFF  }
0x96: {  	s16 =	sld [smem:$0x10];
	(tm) =	ssettm $0x1  }
0x97: {  	s17 =	sld [smem:$0x3FFB];
	_ =	sdelay $0x3  }
0x98: {  	_ =	strace s17  }
0x99: {  	s3 =	sld [smem:$0x3FFC];
	_ =	sdelay $0x3  }
0x9a: {  	_ =	strace s3  }
0x9b: {  	s3 =	sld [smem:$0x3FFD];
	_ =	sdelay $0x3  }
0x9c: {  	_ =	strace s3  }
0x9d: {  	_ =	strace $0x8FFFFFFF  }
0x9e: {  	s18 =	sld [smem:$0x3FDB];
	_ =	sdelay $0x1  }
0x9f: {  	s19 =	simm.s32 $_scs_section_size  }
0xa0: {  	s5 =	simm.s32 $_size__tile_overlayer_lowered;
	s6 =	simm.s32 $_tile_overlayer_lowered  }
0xa1: {  	s22 =	simm.s32 $0x1BFF;
	s21 =	sshll.u32 s6, $0x1;
	s3 =	sadd.s32 s19, s18  }
0xa2: {  	s7 =	simm.s32 $0x0;
	s20 =	sshll.u32 s5, $0x1;
	s5 =	sadd.s32 s21, s3  }
0xa3: {  	[timem:s7], [sflag:s22] =	dma.local [hbm:s5], s20  }
0xa4: {  	_ =	swait.ge [sflag:s22], s20  }
0xa5: {  	s4 =	ssub.s32 $0x0, s20;
	[sflag:s22] =	ssyncset.done $0x0  }
0xa6: {  	[sflag:s22] =	ssyncadd.s32 s4;
	_ =	sdelay $0x1  }
0xa7: {  	s23 =	simm.s32 $0x1B8B  }
0xa8: {  	_ =	swait.ge [sflag:s23], $0x1  }
0xa9: {  	[sflag:s23] =	ssyncset.done $0x0  }
0xaa: {  	s25 =	simm.s32 $0x1B8E;
	s24 =	sld [smem:$0x3FFE];
	[sflag:s23] =	ssyncadd.s32 $0xFFFFFFFF  }
0xab: {  	s26 =	simm.s32 $execute0_lowered;
	[smem:$0x3FD2] =	sst s25  }
0xac: {  	s5 =	sshll.u32 s26, $0x1;
	_ =	strace $0x80000046;
	[dreg:$0x1] =	wrdreg $0xFFFFFFFF  }
0xad: {  	s28 =	simm.s32 $_size_execute0_lowered;
	s3 =	sadd.s32 s3, s5;
	[dreg:$0x0] =	wrdreg $0x0  }
0xae: {  	s5 =	sshll.u32 s28, $0x1;
	[dreg:$0x2] =	wrdreg s3  }
0xaf: {  	[dreg:$0x3] =	wrdreg s5  }
0xb0: {  	[dreg:$0x4] =	wrdreg $0xC0  }
0xb1: {  	_ =	task [dreg:s7], $0x5FFFF  }
0xb2: {  	[dreg:$0x1] =	wrdreg $0xFFFFFFFF  }
0xb3: {  	[dreg:$0x0] =	wrdreg $0x60  }
0xb4: {  	[dreg:$0x2] =	wrdreg s16  }
0xb5: {  	[dreg:$0x3] =	wrdreg s24  }
0xb6: {  	[dreg:$0x4] =	wrdreg $0xA  }
0xb7: {  	_ =	task.clear_ibuf [dreg:s7], $0x5FFFF;
	_ =	strace $0x90000046  }
0xb8: {  	s29 =	simm.s32 $0xA;
	_ =	strace $0x80000048  }
0xb9: {  	_ =	swait.ge [sflag:s29], $0x1  }
0xba: {  	[sflag:s29] =	ssyncadd.s32 $0xFFFFFFFF  }
0xbb: {  	_ =	strace $0x90000048  }
0xbc: {  	_ =	sfence  }
0xbd: {  	s30 =	sld [smem:$0x0];
	_ =	sdelay $0x2  }
0xbe: {  	s31 =	sshll.u32 s1, $0xD;
	s1 =	sshrl.u32 s1, $0x2  }
0xbf: {  	s3 =	sand.u32 $0x4000, s31;
	s1 =	sadd.s32 s1, s30  }
0xc0: {  	s0 =	sor.u32 s3, s0;
	s1 =	sshll.u32 s1, $0x11  }
0xc1: {  	s0 =	sor.u32 s1, s0  }
0xc2: {  	s0 =	sadd.s32 $0x8F2B, s0  }
0xc3: {  	[sflag:s0] =	ssyncadd.remote.s32 $0x1  }
0xc4: {  	_ =	sfence.sel $0xFFFF  }
0xc5: {  	[dreg:$0x0] =	wrdreg $0xFFFFFFFF;
	(pc) =	sbr.abs _section_cstart, $3  }
0xc6: {  	[dreg:$0x1] =	wrdreg $0xFFFFFFFF  }
0xc7: {  	_ =	task.clear_ibuf [dreg:s7], $0x2FFFF;
	_ =	strace $0x9FFFFFFF  }
0xc8: {  	(tm) =	ssettm $0x7FFFFFFF  }
0xc9: {  	_ =	shalt  }
tec
execute0_lowered:
.L_overlay_start_1:
0x0: {  	(tag) =	ssettag $0x1  }
0x1: {  	s1 =	srdreg.scid  }
0x2: {  	s0 =	stileid.u32;
	s4 =	rddreg [dreg:$0x0]  }
0x3: {  	s6 =	rddreg [dreg:$0x1];
	s3 =	sand.u32 $0x1, s1;
	s29 =	sshll.u32 s0, $0x1  }
0x4: {  	s2 =	simm.s32 $0x0;
	s7 =	simm.s32 $0x1;
	s5 =	sor.u32 s3, s29  }
0x5: {  	s10 =	simm.s32 $0x4800;
	p1 =	seq.s32 s3, $0x1;
	p0 =	seq.s32 s5, $0x0  }
0x6: {  	s11 =	simm.s32 $0x0;
	[smem:$0x7FF] =	sst s2;
	p0 =	por !p0, !p1  }
0x7: {  	s1 =	rddreg [dreg:$0x2];
	_ =	strace $0x80000047;
	p0 =	por !p0, !p0  }
0x8: {  	s8 =	ssub.s32 $0x2, s3;
	s3 =	sshll.u32 s3, $0xA;
	s7 =	simm.s32 @!p0 $0x0  }
0x9: {  	s5 =	sshll.u32 s5, $0xB;
	s9 =	sshrl.u32 s8, $0x1;
	s7 =	ssub.s32 s0, s7  }
0xa: {  	s6 =	sadd.s32 s5, s6;
	s30 =	ssub.s32 s8, s9;
	s7 =	sshll.u32 s7, $0xC  }
0xb: {  	s8 =	simm.s32 $0x400;
	s9 =	simm.s32 $0x800;
	s3 =	sor.u32 s3, s7  }
0xc: {  	v2 =	vlaneseq.u32;
	s5 =	sadd.s32 $0x2400, s6;
	s6 =	sadd.s32 $0x12400, s6;
	s31 =	sshrl.u32 s3, $0x3  }
0xd: {  	v0 =	vimm.f32 $0.0e+00;
	v1 =	vimm.s32 $0x0;
	v2 =	vmul.u32 $0x80, v2;
	s7 =	smax.u32 s30, $0x1;
	s3 =	simm.s32 $0x1;
	s4 =	sadd.s32 s4, s31  }
.LBB2_1:
0xe: {  	[tilespmem:s2], [sflag:$0x1] =	stream.strided.gather [hbm4b:s4+s8], $0x800, s9, s8, $0x38;
	[tilespmem:$0x8800] =	vst v63  }
0xf: {  	_ =	swait.ge [sflag:s3], $0x800  }
0x10: {  	[sflag:s3] =	ssyncset.done $0x0  }
0x11: {  	s12 =	simm.s32 $0x0;
	[sflag:s3] =	ssyncadd.s32 $0xFFFFF800  }
.LBB2_2:
0x12: {  	p0 =	sne.s32 s12, $0xFE00  }
.Ltmp0:
0x13: {  	_ = 	snop;
	(pc) =	sbr.rel @p0 .LBB2_2-.Ltmp0, $3  }
0x14: {  	_ =	sdelay $0x1  }
0x15: {  	s13 =	sshra.s32 s12, $0x2  }
0x16: {  	s12 =	sadd.s32 $0x200, s12;
	[tilespmem:s13+$0x800] =	vst v0  }
0x17: {  	s12 =	simm.s32 $0x400  }
0x18: {  	v3 =	vld [tilespmem:s12+$0xFFFFFC80];
	_ =	sdelay $0x1  }
0x19: {  	v4 =	vld [tilespmem:s12+$0xFFFFFC00];
	_ =	sdelay $0x2  }
0x1a: {  	v5 =	vld [tilespmem:s12+$0xFFFFFD00];
	vm0 =	vlt.f32 v3, $-Inf;
	vm1 =	vgt.f32 v3, $-Inf  }
0x1b: {  	v6 =	vimm.s32 $0x0;
	vm0 =	vmor vm1, vm0  }
0x1c: {  	vm12 =	vgt.f32 v3, v4;
	v6 =	vsel vm0, $0xFFFFFFFF, v6  }
0x1d: {  	v7 =	vld [tilespmem:s12+$0xFFFFFD80];
	vm14 =	vmneg vm12;
	[tilespmem:$0x1FF50] =	vst v6;
	v6 =	vnsel vm0, $0xFF800000, v3  }
0x1e: {  	v6 =	vsel vm14, v6, v4  }
0x1f: {  	v3 =	vsel vm14, v4, v3;
	vm15 =	vgt.f32 v5, v6  }
0x20: {  	vm9 =	vgt.f32 v5, v3;
	v4 =	vsel vm15, v5, v6;
	v6 =	vld [tilespmem:s12+$0xFFFFFE00]  }
0x21: {  	v4 =	vsel vm9, v3, v4  }
0x22: {  	v3 =	vsel vm9, v5, v3;
	v5 =	vimm.s32 $0x0;
	vm13 =	vgt.f32 v7, v4  }
0x23: {  	vm6 =	vgt.f32 v7, v3;
	v5 =	vsel vm13, $0xFFFFFFFF, v5;
	v4 =	vsel vm13, v7, v4  }
0x24: {  	[tilespmem:$0x1FF60] =	vst v5;
	v5 =	vld [tilespmem:s12+$0xFFFFFE80];
	v4 =	vsel vm6, v3, v4  }
0x25: {  	v3 =	vsel vm6, v7, v3;
	v7 =	vimm.s32 $0x0;
	vm4 =	vgt.f32 v6, v4  }
0x26: {  	v7 =	vsel vm4, $0xFFFFFFFF, v7  }
0x27: {  	vm10 =	vgt.f32 v6, v3;
	v4 =	vsel vm4, v6, v4;
	[tilespmem:$0x1FF70] =	vst v7;
	v7 =	vld [tilespmem:s12+$0xFFFFFF00]  }
0x28: {  	v4 =	vsel vm10, v3, v4  }
0x29: {  	v3 =	vsel vm10, v6, v3;
	v6 =	vimm.s32 $0x0;
	vm5 =	vgt.f32 v5, v4  }
0x2a: {  	vm8 =	vgt.f32 v5, v3;
	v6 =	vsel vm5, $0xFFFFFFFF, v6;
	v4 =	vsel vm5, v5, v4  }
0x2b: {  	[tilespmem:$0x1FF80] =	vst v6;
	v6 =	vld [tilespmem:s12+$0xFFFFFF80];
	v4 =	vsel vm8, v3, v4  }
0x2c: {  	v3 =	vsel vm8, v5, v3;
	v5 =	vimm.s32 $0x0;
	vm13 =	vgt.f32 v7, v4  }
0x2d: {  	v5 =	vsel vm13, $0xFFFFFFFF, v5  }
0x2e: {  	vm7 =	vgt.f32 v7, v3;
	v4 =	vsel vm13, v7, v4;
	[tilespmem:$0x1FF90] =	vst v5;
	v5 =	vld [tilespmem:s12+$0x0]  }
0x2f: {  	v4 =	vsel vm7, v3, v4  }
0x30: {  	v3 =	vsel vm7, v7, v3;
	v7 =	vimm.s32 $0x0;
	vm5 =	vgt.f32 v6, v4  }
0x31: {  	vm11 =	vgt.f32 v6, v3;
	v7 =	vsel vm5, $0xFFFFFFFF, v7;
	v4 =	vsel vm5, v6, v4  }
0x32: {  	[tilespmem:$0x1FFA0] =	vst v7;
	v7 =	vld [tilespmem:s12+$0x80];
	v4 =	vsel vm11, v3, v4  }
0x33: {  	v3 =	vsel vm11, v6, v3;
	v6 =	vimm.s32 $0x0;
	vm13 =	vgt.f32 v5, v4  }
0x34: {  	v6 =	vsel vm13, $0xFFFFFFFF, v6  }
0x35: {  	vm5 =	vgt.f32 v5, v3;
	v4 =	vsel vm13, v5, v4;
	[tilespmem:$0x1FFB0] =	vst v6;
	v6 =	vld [tilespmem:s12+$0x100]  }
0x36: {  	v4 =	vsel vm5, v3, v4  }
0x37: {  	v3 =	vsel vm5, v5, v3;
	v5 =	vimm.s32 $0x0;
	vm4 =	vgt.f32 v7, v4  }
0x38: {  	v5 =	vsel vm4, $0xFFFFFFFF, v5;
	v4 =	vsel vm4, v7, v4;
	vm4 =	vgt.f32 v7, v3  }
0x39: {  	[tilespmem:$0x1FFC0] =	vst v5;
	v5 =	vld [tilespmem:s12+$0x180];
	v4 =	vsel vm4, v3, v4  }
0x3a: {  	v3 =	vsel vm4, v7, v3;
	v7 =	vimm.s32 $0x0;
	vm13 =	vgt.f32 v6, v4  }
0x3b: {  	v7 =	vsel vm13, $0xFFFFFFFF, v7  }
0x3c: {  	vm3 =	vgt.f32 v6, v3;
	v4 =	vsel vm13, v6, v4;
	[tilespmem:$0x1FFD0] =	vst v7;
	v7 =	vld [tilespmem:s12+$0x200]  }
0x3d: {  	v4 =	vsel vm3, v3, v4  }
0x3e: {  	v3 =	vsel vm3, v6, v3;
	vm13 =	vgt.f32 v5, v4  }
0x3f: {  	vm2 =	vgt.f32 v5, v3;
	v4 =	vsel vm13, v5, v4  }
0x40: {  	v6 =	vimm.s32 $0x0;
	v4 =	vsel vm2, v3, v4  }
0x41: {  	v6 =	vsel vm13, $0xFFFFFFFF, v6;
	v3 =	vsel vm2, v5, v3;
	vm13 =	vgt.f32 v7, v4  }
0x42: {  	[tilespmem:$0x1FFE0] =	vst v6;
	v6 =	vld [tilespmem:s12+$0x280];
	vm1 =	vgt.f32 v7, v3;
	v4 =	vsel vm13, v7, v4  }
0x43: {  	v4 =	vsel vm1, v3, v4;
	v3 =	vsel vm1, v7, v3;
	v7 =	vld [tilespmem:$0x1FF50]  }
0x44: {  	v5 =	vimm.s32 $0x0  }
0x45: {  	v5 =	vsel vm13, $0xFFFFFFFF, v5  }
0x46: {  	[tilespmem:$0x1FFF0] =	vst v5;
	v5 =	vld [tilespmem:s12+$0x300]  }
0x47: {  	v9 =	vsel vm12, $0x1, v1;
	v60 =	vld [tilespmem:$0x1FF60]  }
0x48: {  	v59 =	vsel vm9, $0x2, v9;
	v61 =	vld [tilespmem:$0x1FF70];
	vm13 =	vgt.f32 v6, v4;
	vm0 =	vnez.u8 v7  }
0x49: {  	v4 =	vsel vm13, v6, v4;
	v7 =	vld [tilespmem:s12+$0x380];
	vm0 =	vmand vm14, vm0;
	vm14 =	vgt.f32 v6, v3  }
0x4a: {  	v8 =	vsel vm0, $0x1, v1;
	v4 =	vsel vm14, v3, v4;
	v3 =	vsel vm14, v6, v3  }
0x4b: {  	v8 =	vsel vm15, $0x2, v8;
	vm12 =	vgt.f32 v5, v4;
	vm0 =	vgt.f32 v5, v3  }
0x4c: {  	vm15 =	vnez.u8 v60;
	v6 =	vsel vm9, v9, v8;
	v4 =	vsel vm12, v5, v4  }
0x4d: {  	v6 =	vsel vm15, $0x3, v6;
	v4 =	vsel vm0, v3, v4;
	v3 =	vsel vm0, v5, v3  }
0x4e: {  	v5 =	vsel vm6, $0x3, v59;
	vm15 =	vnez.u8 v61;
	vm9 =	vgt.f32 v7, v4  }
0x4f: {  	v6 =	vsel vm6, v59, v6;
	vm6 =	vgt.f32 v7, v3;
	v4 =	vsel vm9, v7, v4  }
0x50: {  	v6 =	vsel vm15, $0x4, v6;
	v4 =	vsel vm6, v3, v4;
	v3 =	vsel vm6, v7, v3  }
0x51: {  	v3 =	vsub.f32 v4, v3;
	v4 =	vsel vm10, v5, v6;
	v6 =	vld [tilespmem:$0x1FF80];
	_ =	sdelay $0x4  }
0x52: {  	vm15 =	vnez.u8 v6;
	v6 =	vld [tilespmem:$0x1FF90];
	_ =	sdelay $0x3  }
0x53: {  	v5 =	vsel vm10, $0x4, v5;
	v4 =	vsel vm15, $0x5, v4  }
0x54: {  	v3 =	vmul.f32 $1.442695020e+00, v3;
	v4 =	vsel vm8, v5, v4;
	vm15 =	vnez.u8 v6  }
0x55: {  	v5 =	vsel vm8, $0x5, v5;
	v4 =	vsel vm15, $0x6, v4  }
0x56: {  	(erf) = vpow2.f32 v3;
	v3 =	vsel vm7, v5, v4;
	v4 =	vsel vm7, $0x6, v5;
	v5 =	vld [tilespmem:$0x1FFA0];
	_ =	sdelay $0x4  }
0x57: {  	vm10 =	vnez.u8 v5;
	v5 =	vld [tilespmem:$0x1FFB0];
	_ =	sdelay $0x4  }
0x58: {  	vm15 =	vnez.u8 v5;
	v5 =	vld [tilespmem:$0x1FFC0];
	_ =	sdelay $0x4  }
0x59: {  	vm8 =	vnez.u8 v5;
	v5 =	vld [tilespmem:$0x1FFD0];
	_ =	sdelay $0x2  }
0x5a: {  	v3 =	vsel vm10, $0x7, v3  }
0x5b: {  	v3 =	vsel vm11, v4, v3  }
0x5c: {  	v4 =	vsel vm11, $0x7, v4;
	v3 =	vsel vm15, $0x8, v3;
	vm10 =	vnez.u8 v5;
	v5 =	vld [tilespmem:$0x1FFE0]  }
0x5d: {  	v3 =	vsel vm5, v4, v3  }
0x5e: {  	v7 =	vld [tilespmem:$0x1FFF0];
	v4 =	vsel vm5, $0x8, v4;
	v3 =	vsel vm8, $0x9, v3  }
0x5f: {  	v3 =	vsel vm4, v4, v3  }
0x60: {  	v4 =	vsel vm4, $0x9, v4;
	v3 =	vsel vm10, $0xA, v3  }
0x61: {  	v3 =	vsel vm3, v4, v3;
	vm11 =	vnez.u8 v5  }
0x62: {  	v4 =	vsel vm3, $0xA, v4;
	v3 =	vsel vm11, $0xB, v3  }
0x63: {  	vm15 =	vnez.u8 v7;
	v5 =	vpop (erf);
	v3 =	vsel vm2, v4, v3  }
0x64: {  	v6 =	vadd.f32 $1.000000000e+00, v5;
	v4 =	vsel vm2, $0xB, v4;
	v3 =	vsel vm15, $0xC, v3  }
0x65: {  	v3 =	vsel vm1, v4, v3  }
0x66: {  	(erf) = vrcp.f32 v6;
	v4 =	vsel vm1, $0xC, v4;
	v3 =	vsel vm13, $0xD, v3  }
0x67: {  	s13 =	simm.s32 $0x0;
	v3 =	vsel vm14, v4, v3  }
0x68: {  	v6 =	vmov s13;
	v4 =	vsel vm14, $0xD, v4;
	v3 =	vsel vm12, $0xE, v3  }
0x69: {  	v6 =	vshll.u32 v6, $0x7;
	v3 =	vsel vm0, v4, v3;
	v4 =	vsel vm0, $0xE, v4  }
0x6a: {  	v6 =	vor.u32 v2, v6;
	v3 =	vsel vm9, $0xF, v3;
	v7 =	vsel vm6, $0xF, v4  }
0x6b: {  	v3 =	vsel vm6, v4, v3;
	v4 =	vor.u32 v6, v7;
	_ =	sdelay $0x1  }
0x6c: {  	v62 =	vor.u32 v6, v3;
	_ =	sdelay $0x1  }
0x6d: {  	v63 =	vpop (erf)  }
0x6e: {  	v5 =	vmul.f32 v63, v5;
	[tilespmem:v4+s9+$0x0] =	vst.idx.msk $0xffff, v63;
	v4 =	vor.u32 $0x1, v6;
	_ =	sdelay $0x1  }
0x6f: {  	[tilespmem:v62+s9+$0x0] =	vst.idx.msk $0xffff, v5  }
0x70: {  	s13 =	simm.s32 $0x10;
	[tilespmem:v6+s10+$0x0] =	vst.idx.msk $0xffff, v7  }
.LBB2_4:
0x71: {  	p0 =	sne.s32 s13, $0x70  }
0x72: {  	[tilespmem:v4+s10+$0x0] =	vst.idx.msk $0xffff, v3;
	s12 =	sadd.s32 $0x10, s12;
	s14 =	smov.u32 s13;
	s13 =	sadd.s32 $0x10, s13  }
0x73: {  	v3 =	vld [tilespmem:s12+$0xFFFFFC80]  }
0x74: {  	v4 =	vld [tilespmem:s12+$0xFFFFFC00];
	_ =	sdelay $0x2  }
0x75: {  	v5 =	vld [tilespmem:s12+$0xFFFFFD00]  }
0x76: {  	vm0 =	vlt.f32 v3, $-Inf;
	vm1 =	vgt.f32 v3, $-Inf  }
0x77: {  	vm2 =	vgt.f32 v3, v4;
	vm0 =	vmor vm1, vm0  }
0x78: {  	vm1 =	vmneg vm2;
	v6 =	vnsel vm0, $0xFF800000, v3;
	v7 =	vld [tilespmem:s12+$0xFFFFFD80]  }
0x79: {  	v6 =	vsel vm1, v6, v4;
	vm0 =	vmand vm1, vm0;
	v3 =	vsel vm1, v4, v3  }
0x7a: {  	v8 =	vsel vm2, $0x1, v1;
	v4 =	vsel vm0, $0x1, v1;
	vm0 =	vgt.f32 v5, v6  }
0x7b: {  	vm1 =	vgt.f32 v5, v3;
	v6 =	vsel vm0, v5, v6;
	v4 =	vsel vm0, $0x2, v4;
	v9 =	vld [tilespmem:s12+$0xFFFFFE00]  }
0x7c: {  	v6 =	vsel vm1, v3, v6;
	v4 =	vsel vm1, v8, v4;
	v3 =	vsel vm1, v5, v3  }
0x7d: {  	v5 =	vsel vm1, $0x2, v8;
	vm0 =	vgt.f32 v7, v6  }
0x7e: {  	vm1 =	vgt.f32 v7, v3;
	v6 =	vsel vm0, v7, v6;
	v4 =	vsel vm0, $0x3, v4;
	v8 =	vld [tilespmem:s12+$0xFFFFFE80]  }
0x7f: {  	v6 =	vsel vm1, v3, v6;
	v4 =	vsel vm1, v5, v4;
	v3 =	vsel vm1, v7, v3  }
0x80: {  	v5 =	vsel vm1, $0x3, v5;
	vm0 =	vgt.f32 v9, v6  }
0x81: {  	vm1 =	vgt.f32 v9, v3;
	v6 =	vsel vm0, v9, v6;
	v4 =	vsel vm0, $0x4, v4;
	v7 =	vld [tilespmem:s12+$0xFFFFFF00]  }
0x82: {  	v6 =	vsel vm1, v3, v6;
	v4 =	vsel vm1, v5, v4;
	v3 =	vsel vm1, v9, v3  }
0x83: {  	v5 =	vsel vm1, $0x4, v5;
	vm0 =	vgt.f32 v8, v6  }
0x84: {  	vm1 =	vgt.f32 v8, v3;
	v6 =	vsel vm0, v8, v6;
	v4 =	vsel vm0, $0x5, v4;
	v9 =	vld [tilespmem:s12+$0xFFFFFF80]  }
0x85: {  	v6 =	vsel vm1, v3, v6;
	v4 =	vsel vm1, v5, v4;
	v3 =	vsel vm1, v8, v3  }
0x86: {  	v5 =	vsel vm1, $0x5, v5;
	vm0 =	vgt.f32 v7, v6  }
0x87: {  	vm1 =	vgt.f32 v7, v3;
	v6 =	vsel vm0, v7, v6;
	v4 =	vsel vm0, $0x6, v4;
	v8 =	vld [tilespmem:s12+$0x0]  }
0x88: {  	v6 =	vsel vm1, v3, v6;
	v4 =	vsel vm1, v5, v4;
	v3 =	vsel vm1, v7, v3  }
0x89: {  	v5 =	vsel vm1, $0x6, v5;
	vm0 =	vgt.f32 v9, v6  }
0x8a: {  	vm1 =	vgt.f32 v9, v3;
	v6 =	vsel vm0, v9, v6;
	v4 =	vsel vm0, $0x7, v4;
	v7 =	vld [tilespmem:s12+$0x80]  }
0x8b: {  	v6 =	vsel vm1, v3, v6;
	v4 =	vsel vm1, v5, v4;
	v3 =	vsel vm1, v9, v3  }
0x8c: {  	v5 =	vsel vm1, $0x7, v5;
	vm0 =	vgt.f32 v8, v6  }
0x8d: {  	vm1 =	vgt.f32 v8, v3;
	v6 =	vsel vm0, v8, v6;
	v4 =	vsel vm0, $0x8, v4;
	v9 =	vld [tilespmem:s12+$0x100]  }
0x8e: {  	v6 =	vsel vm1, v3, v6;
	v4 =	vsel vm1, v5, v4;
	v3 =	vsel vm1, v8, v3  }
0x8f: {  	v5 =	vsel vm1, $0x8, v5;
	vm0 =	vgt.f32 v7, v6  }
0x90: {  	vm1 =	vgt.f32 v7, v3;
	v6 =	vsel vm0, v7, v6;
	v4 =	vsel vm0, $0x9, v4;
	v8 =	vld [tilespmem:s12+$0x180]  }
0x91: {  	v6 =	vsel vm1, v3, v6;
	v3 =	vsel vm1, v7, v3;
	v7 =	vsel vm1, $0x9, v5  }
0x92: {  	v4 =	vsel vm1, v5, v4;
	vm0 =	vgt.f32 v9, v6  }
0x93: {  	vm1 =	vgt.f32 v9, v3;
	v5 =	vsel vm0, v9, v6;
	v4 =	vsel vm0, $0xA, v4;
	v6 =	vld [tilespmem:s12+$0x200]  }
0x94: {  	v5 =	vsel vm1, v3, v5;
	v4 =	vsel vm1, v7, v4;
	v3 =	vsel vm1, v9, v3  }
0x95: {  	v7 =	vsel vm1, $0xA, v7;
	vm0 =	vgt.f32 v8, v5  }
0x96: {  	vm1 =	vgt.f32 v8, v3;
	v5 =	vsel vm0, v8, v5;
	v4 =	vsel vm0, $0xB, v4;
	v9 =	vld [tilespmem:s12+$0x280]  }
0x97: {  	v5 =	vsel vm1, v3, v5;
	v4 =	vsel vm1, v7, v4  }
0x98: {  	v3 =	vsel vm1, v8, v3;
	v7 =	vsel vm1, $0xB, v7;
	vm0 =	vgt.f32 v6, v5  }
0x99: {  	vm1 =	vgt.f32 v6, v3;
	v5 =	vsel vm0, v6, v5;
	v4 =	vsel vm0, $0xC, v4;
	v8 =	vld [tilespmem:s12+$0x300]  }
0x9a: {  	v5 =	vsel vm1, v3, v5;
	v4 =	vsel vm1, v7, v4  }
0x9b: {  	v3 =	vsel vm1, v6, v3;
	v6 =	vsel vm1, $0xC, v7;
	vm0 =	vgt.f32 v9, v5  }
0x9c: {  	vm1 =	vgt.f32 v9, v3;
	v5 =	vsel vm0, v9, v5;
	v4 =	vsel vm0, $0xD, v4;
	v7 =	vld [tilespmem:s12+$0x380]  }
0x9d: {  	v5 =	vsel vm1, v3, v5;
	v4 =	vsel vm1, v6, v4;
	v3 =	vsel vm1, v9, v3  }
0x9e: {  	v6 =	vsel vm1, $0xD, v6;
	vm0 =	vgt.f32 v8, v5  }
0x9f: {  	vm1 =	vgt.f32 v8, v3;
	v5 =	vsel vm0, v8, v5;
	v4 =	vsel vm0, $0xE, v4  }
0xa0: {  	v8 =	vsel vm1, v8, v3;
	v5 =	vsel vm1, v3, v5;
	v4 =	vsel vm1, v6, v4  }
0xa1: {  	v6 =	vsel vm1, $0xE, v6;
	vm1 =	vgt.f32 v7, v5  }
0xa2: {  	vm0 =	vgt.f32 v7, v8;
	v3 =	vsel vm1, v7, v5;
	v4 =	vsel vm1, $0xF, v4  }
0xa3: {  	v5 =	vsel vm0, v8, v3;
	v3 =	vsel vm0, v6, v4;
	v4 =	vsel vm0, v7, v8  }
0xa4: {  	v4 =	vsub.f32 v5, v4;
	_ =	sdelay $0x1  }
0xa5: {  	v4 =	vmul.f32 $1.442695020e+00, v4;
	_ =	sdelay $0x1  }
0xa6: {  	(erf) = vpow2.f32 v4;
	_ =	sdelay $0x8  }
0xa7: {  	v5 =	vpop (erf)  }
0xa8: {  	v4 =	vadd.f32 $1.000000000e+00, v5;
	_ =	sdelay $0x1  }
0xa9: {  	(erf) = vrcp.f32 v4;
	_ =	sdelay $0x2  }
0xaa: {  	v4 =	vmov s14  }
0xab: {  	v4 =	vshll.u32 v4, $0x7  }
0xac: {  	v6 =	vsel vm0, $0xF, v6;
	v7 =	vor.u32 v2, v4  }
0xad: {  	v8 =	vor.u32 v7, v6  }
0xae: {  	v9 =	vor.u32 v7, v3;
	_ =	sdelay $0x1  }
.Ltmp1:
0xaf: {  	v4 =	vor.u32 $0x1, v7;
	v10 =	vpop (erf);
	(pc) =	sbr.rel @p0 .LBB2_4-.Ltmp1, $4  }
0xb0: {  	v5 =	vmul.f32 v10, v5  }
0xb1: {  	[tilespmem:v8+s9+$0x0] =	vst.idx.msk $0xffff, v10  }
0xb2: {  	[tilespmem:v9+s9+$0x0] =	vst.idx.msk $0xffff, v5  }
0xb3: {  	[tilespmem:v7+s10+$0x0] =	vst.idx.msk $0xffff, v6  }
0xb4: {  	_ =	sdelay $0x3  }
0xb5: {  	[tilespmem:v4+s10+$0x0] =	vst.idx.msk $0xffff, v3  }
0xb6: {  	[hbm4b:s5+s2] =	stream.linear.scatter [tilespmem:s9], [sflag:$0x1], $0x4000, $0x38;
	[tilespmem:$0x8800] =	vst v63  }
0xb7: {  	s11 =	sadd.s32 $0x1, s11;
	_ =	swait.ge [sflag:s3], $0x4000  }
0xb8: {  	p0 =	sne.s32 s11, s7;
	[sflag:s3] =	ssyncset.done $0x0  }
.Ltmp2:
0xb9: {  	[sflag:s3] =	ssyncadd.s32 $0xFFFFC000;
	(pc) =	sbr.rel @p0 .LBB2_1-.Ltmp2, $4  }
0xba: {  	[hbm4b:s6+s2] =	stream.linear.scatter [tilespmem:s10], [sflag:$0x1], $0x4000, $0x38;
	[tilespmem:$0x8800] =	vst v63  }
0xbb: {  	_ =	swait.ge [sflag:s3], $0x4000  }
0xbc: {  	[sflag:s3] =	ssyncset.done $0x0  }
0xbd: {  	[sflag:s3] =	ssyncadd.s32 $0xFFFFC000  }
0xbe: {  	_ =	sfence.sel $0x180000  }
0xbf: {  	[bflag:$0x0] =	sbarrier.arrive $0xFFFF  }
0xc0: {  	p0 =	sne.s32 s0, $0x0;
	_ =	strace $0x90000047  }
0xc1: {  	s0 =	sadd.s32 @!p0 $0x100000, s1;
	[bflag:$0x2] =	sbarrier.arrive $0xFFFF  }
0xc2: {  	[sflag:s0] =	ssyncadd.tile.s32 @!p0 $0x1;
	_ =	shalt  }
.Lfunc_end2:
_tile_overlayer_lowered:
.L_overlay_start_2:
0xc3: {  	(tag) =	ssettag $0x2  }
0xc4: {  	s0 =	rddreg [dreg:$0x0];
	s2 =	stileid.u32  }
0xc5: {  	s1 =	rddreg [dreg:$0x1];
	p0 =	sne.s32 s2, $0x0  }
0xc6: {  	s3 =	rddreg [dreg:$0x2];
	[bflag:$0x3] =	sbarrier.arrive $0xFFFF;
	s2 =	simm.s32 @!p0 $0x1C01  }
0xc7: {  	[timem:s3], [sflag:s2] =	dma.local @!p0 [hbm:s0], s1  }
0xc8: {  	s0 =	simm.s32 @!p0 $0x1  }
0xc9: {  	_ =	swait.ge @!p0 [sflag:s0], s1  }
0xca: {  	s1 =	ssub.s32 @!p0 $0x0, s1;
	[sflag:s0] =	ssyncset.done @!p0 $0x0  }
0xcb: {  	[sflag:s0] =	ssyncadd.s32 @!p0 s1  }
0xcc: {  	[bflag:$0x3] =	sbarrier.arrive $0xFFFF  }
0xcd: {  	_ =	shalt  }

</sc_bundles>
